<compile_context>
chip_gen: v7x
topology: tpu7x:2x2x1
jax: 0.10.2.dev20260603
libtpu: 0.0.44.dev20260713+nightly
codegen_flags: <defaults>
</compile_context>

<pallas_src>
import functools

import jax
import jax.numpy as jnp
from jax import lax
from jax.experimental import pallas as pl
from jax.experimental.pallas import tpu as pltpu
from jax.experimental.pallas import tpu_sc as plsc

NC, NS = 2, 16
NW = NC * NS
ECH = 40
NB = 5
AH = 3
RB = 1000
NG = 64


def _mmT(a, w):
    return lax.dot_general(a, w, (((1,), (1,)), ((), ())),
                           preferred_element_type=jnp.float32)



def _mm1_body(x_ref, w_ref, y_ref):
    y_ref[...] = _mmT(x_ref[...], w_ref[...])


def _mm1(x, w_rel):
    n, d = x.shape
    return pl.pallas_call(
        _mm1_body,
        grid=(n // RB,),
        in_specs=[
            pl.BlockSpec((RB, d), lambda i: (i, 0)),
            pl.BlockSpec((d, d), lambda i: (0, 0)),
        ],
        out_specs=pl.BlockSpec((RB, d), lambda i: (i, 0)),
        out_shape=jax.ShapeDtypeStruct((n, d), jnp.float32),
    )(x, w_rel)



def _comb_mm_body(p0_ref, p1_ref, x_ref, wr1_ref, b1_ref, wa_ref, wb_ref,
                  b2_ref, y_ref, r2_ref):
    h = jnp.maximum(p0_ref[...] + p1_ref[...]
                    + _mmT(x_ref[...], wr1_ref[...]) + b1_ref[...], 0.0)
    y_ref[...] = _mmT(h, wa_ref[...])
    r2_ref[...] = _mmT(h, wb_ref[...]) + b2_ref[...]


def _comb_mm(p0, p1, x, w1_root, b1, w_rel, w_root, b2):
    n, d = x.shape
    wspec = pl.BlockSpec((d, d), lambda i: (0, 0))
    bspec = pl.BlockSpec((1, d), lambda i: (0, 0))
    rspec = pl.BlockSpec((RB, d), lambda i: (i, 0))
    return pl.pallas_call(
        _comb_mm_body,
        grid=(n // RB,),
        in_specs=[rspec, rspec, rspec, wspec, bspec, wspec, wspec, bspec],
        out_specs=[rspec, rspec],
        out_shape=[
            jax.ShapeDtypeStruct((n, d), jnp.float32),
            jax.ShapeDtypeStruct((n, d), jnp.float32),
        ],
    )(p0, p1, x, w1_root, b1.reshape(1, d), w_rel, w_root, b2.reshape(1, d))



def _pool_body(p0_ref, p1_ref, r_ref, bt_ref, out_ref):
    h = jnp.maximum(p0_ref[...] + p1_ref[...] + r_ref[...], 0.0)
    g = bt_ref[0]
    ids = lax.broadcasted_iota(jnp.int32, (NG, RB), 0)
    onehot = jnp.where(g == ids, 1.0, 0.0)
    contrib = jnp.dot(onehot, h, preferred_element_type=jnp.float32)

    @pl.when(pl.program_id(0) == 0)
    def _init():
        out_ref[...] = contrib

    @pl.when(pl.program_id(0) > 0)
    def _accum():
        out_ref[...] += contrib


def _pool(p0, p1, r, bt):
    n, d = r.shape
    return pl.pallas_call(
        _pool_body,
        grid=(n // RB,),
        in_specs=[
            pl.BlockSpec((RB, d), lambda i: (i, 0)),
            pl.BlockSpec((RB, d), lambda i: (i, 0)),
            pl.BlockSpec((RB, d), lambda i: (i, 0)),
            pl.BlockSpec((1, 1, RB), lambda i: (i, 0, 0)),
        ],
        out_specs=pl.BlockSpec((NG, d), lambda i: (0, 0)),
        out_shape=jax.ShapeDtypeStruct((NG, d), jnp.float32),
    )(p0, p1, r, bt)



@functools.lru_cache(maxsize=None)
def _make_agg(n, d, e):
    ept = e // NW
    iters = ept // ECH
    zrows = ECH
    npad = (n + NS * zrows - 1) // (NS * zrows) * (NS * zrows)
    npt = npad // NS
    nz = npt // zrows

    mesh = plsc.VectorSubcoreMesh(core_axis_name="c", subcore_axis_name="s",
                                  num_cores=NC, num_subcores=NS)

    @functools.partial(
        pl.kernel,
        out_type=[jax.ShapeDtypeStruct((npad, d), jnp.float32),
                  jax.ShapeDtypeStruct((npad, d), jnp.float32)],
        mesh=mesh,
        scratch_types=[
            pltpu.VMEM((ept,), jnp.int32),
            pltpu.VMEM((ept,), jnp.int32),
            pltpu.VMEM((NB * ECH, d), jnp.float32),
            pltpu.VMEM_SHARED((npad, d), jnp.float32),
            pltpu.SemaphoreType.DMA,
            pltpu.SemaphoreType.DMA,
        ],
    )
    def agg(y_hbm, src_hbm, dst_hbm, out0, out1,
            sidx, didx, rows, acc, sem_g, sem_s):
        cid = lax.axis_index("c")
        sid = lax.axis_index("s")
        wid = cid * NS + sid

        pltpu.sync_copy(src_hbm.at[pl.ds(wid * ept, ept)], sidx)
        pltpu.sync_copy(dst_hbm.at[pl.ds(wid * ept, ept)], didx)

        z = jnp.zeros((16,), jnp.float32)

        def zrow(i, c):
            for j in range(d // 16):
                rows[i, pl.ds(j * 16, 16)] = z
            return c

        zc = next(k * ECH for k in range(NB, 0, -1) if npt % (k * ECH) == 0)
        lax.fori_loop(0, zc, zrow, 0)
        for k in range(npt // zc):
            pltpu.sync_copy(rows.at[pl.ds(0, zc)],
                            acc.at[pl.ds(sid * npt + k * zc, zc)])
        plsc.subcore_barrier()

        def _gather(it, slot):
            pltpu.async_copy(y_hbm.at[sidx.at[pl.ds(it * ECH, ECH)]],
                             rows.at[pl.ds(slot * ECH, ECH)], sem_g)

        def _drain(sem):
            pltpu.make_async_copy(y_hbm.at[pl.ds(0, ECH)],
                                  rows.at[pl.ds(0, ECH)], sem).wait()

        def _visit(it, b):
            @pl.when(it >= NB - AH)
            def _ws():
                _drain(sem_s)

            @pl.when(it + AH < iters)
            def _fg():
                _gather(it + AH, (b + AH) % NB)

            _drain(sem_g)
            pltpu.async_copy(rows.at[pl.ds(b * ECH, ECH)],
                             acc.at[didx.at[pl.ds(it * ECH, ECH)]],
                             sem_s, add=True)

        for a in range(AH):
            _gather(a, a)

        main = iters // NB

        def outer(o, c):
            for b in range(NB):
                _visit(o * NB + b, b)
            return c

        lax.fori_loop(0, main, outer, 0)
        for it in range(main * NB, iters):
            _visit(it, it % NB)
        for _ in range(NB - AH):
            _drain(sem_s)
        plsc.subcore_barrier()

        @pl.when(cid == 0)
        def _w0():
            pltpu.sync_copy(acc.at[pl.ds(sid * npt, npt)],
                            out0.at[pl.ds(sid * npt, npt)])

        @pl.when(cid == 1)
        def _w1():
            pltpu.sync_copy(acc.at[pl.ds(sid * npt, npt)],
                            out1.at[pl.ds(sid * npt, npt)])

    return agg


def kernel(x, edge_index, batch, W1_rel, b1, W1_root, W2_rel, b2, W2_root):
    n, d = x.shape
    e = edge_index.shape[1]
    src = edge_index[0].astype(jnp.int32)
    dst = edge_index[1].astype(jnp.int32)
    bt = batch.astype(jnp.int32).reshape(n // RB, 1, RB)

    agg = _make_agg(n, d, e)

    y1 = _mm1(x, W1_rel)
    p0, p1 = agg(y1, src, dst)
    y2, r2 = _comb_mm(p0, p1, x, W1_root, b1, W2_rel, W2_root, b2)
    q0, q1 = agg(y2, src, dst)
    return _pool(q0, q1, r2, bt)

# --- scband reference (transcript-rebuilt; emitter-appended) ---
"""Pipeline reference for scband-gcnn-343597384357 (READ-ONLY COPY).

The authoritative reference and input builder live on the scoring server;
editing this copy changes nothing except your own understanding.
"""

import jax, jax.numpy as jnp
import numpy as np

N_NODES = 10000
N_EDGES = 320000
D_IN = 128
D_HID = 128
D_OUT = 128
N_GRAPHS = 64


def setup_inputs(seed: int = 0) -> dict:
    key = jax.random.key(seed)
    ks = jax.random.split(key, 10)
    x = jax.random.normal(ks[0], (N_NODES, D_IN), dtype=jnp.float32)
    edge_index = jax.random.randint(ks[1], (2, N_EDGES), 0, N_NODES, dtype=jnp.int64)
    batch = jnp.sort(jax.random.randint(ks[2], (N_NODES,), 0, N_GRAPHS, dtype=jnp.int64))
    # GraphConv layer 1 params: lin_rel (with bias) applied to aggregated neighbors, lin_root (no bias) applied to self
    W1_rel = jax.random.normal(ks[3], (D_HID, D_IN), dtype=jnp.float32) * 0.05
    b1 = jax.random.normal(ks[4], (D_HID,), dtype=jnp.float32) * 0.05
    W1_root = jax.random.normal(ks[5], (D_HID, D_IN), dtype=jnp.float32) * 0.05
    # GraphConv layer 2 params
    W2_rel = jax.random.normal(ks[6], (D_OUT, D_HID), dtype=jnp.float32) * 0.05
    b2 = jax.random.normal(ks[7], (D_OUT,), dtype=jnp.float32) * 0.05
    W2_root = jax.random.normal(ks[8], (D_OUT, D_HID), dtype=jnp.float32) * 0.05
    return {"x": x, "edge_index": edge_index, "batch": batch,
            "W1_rel": W1_rel, "b1": b1, "W1_root": W1_root,
            "W2_rel": W2_rel, "b2": b2, "W2_root": W2_root}


def _graph_conv(x, src, dst, n_nodes, W_rel, b, W_root):
    # PyG GraphConv (aggr='add'): out_i = W_rel @ (sum_{j in N(i)} x_j) + b + W_root @ x_i
    msgs = jnp.take(x, src, axis=0)                      # gather source node features
    agg = jax.ops.segment_sum(msgs, dst, num_segments=n_nodes)  # scatter-add to targets
    return agg @ W_rel.T + b + x @ W_root.T


def reference(x, edge_index, batch, W1_rel, b1, W1_root, W2_rel, b2, W2_root):
    src = edge_index[0]
    dst = edge_index[1]
    n_nodes = x.shape[0]
    h = _graph_conv(x, src, dst, n_nodes, W1_rel, b1, W1_root)
    h = jax.nn.relu(h)
    h = _graph_conv(h, src, dst, n_nodes, W2_rel, b2, W2_root)
    h = jax.nn.relu(h)
    # SumAggregation over the batch vector -> [num_graphs, output_dim]
    out = jax.ops.segment_sum(h, batch, num_segments=N_GRAPHS)
    return out

if __name__ == "__main__":
    import jax
    _d = setup_inputs()
    print(jax.jit(kernel)(*tuple(_d.values())))

</pallas_src>

<mosaic_0001>
#map = affine_map<(d0, d1) -> (0, 0)>
#map1 = affine_map<(d0, d1) -> (0)>
module attributes {stable_mosaic.version = 14 : i64} {
  func.func @agg(%arg0: i32, %arg1: i32, %arg2: memref<10000x128xf32, #tpu.memory_space<hbm>>, %arg3: memref<320000xi32, #tpu.memory_space<hbm>>, %arg4: memref<320000xi32, #tpu.memory_space<hbm>>, %arg5: memref<10240x128xf32, #tpu.memory_space<hbm>>, %arg6: memref<10240x128xf32, #tpu.memory_space<hbm>>, %arg7: memref<10000xi32, #tpu.memory_space<vmem>>, %arg8: memref<10000xi32, #tpu.memory_space<vmem>>, %arg9: memref<200x128xf32, #tpu.memory_space<vmem>>, %arg10: memref<10240x128xf32, #tpu.memory_space<vmem_shared>>, %arg11: memref<!tpu.dma_semaphore, #tpu.memory_space<semaphore_mem>>, %arg12: memref<!tpu.dma_semaphore, #tpu.memory_space<semaphore_mem>>) attributes {dimension_semantics = [#tpu.dimension_semantics<core_parallel>, #tpu.dimension_semantics<subcore_parallel>], iteration_bounds = array<i64: 2, 16>, scalar_prefetch = 0 : i64, scratch_operands = 6 : i64, tpu.core_type = #tpu.core_type<sc_vector_subcore>, window_params = [{transform_indices = #map}, {transform_indices = #map1}, {transform_indices = #map1}, {transform_indices = #map}, {transform_indices = #map}]} {
    %mul3A = arith.constant 16 : i32
    %mul3A_0 = arith.muli %arg0, %mul3A : i32
    %add3A = arith.addi %mul3A_0, %arg1 : i32
    %mul3A_1 = arith.constant 10000 : i32
    %mul3A_2 = arith.muli %add3A, %mul3A_1 : i32
    "tpu.region"() ({
      %run_scoped3A = tpu.sem_alloc : memref<!tpu.dma_semaphore, #tpu.memory_space<semaphore_mem>>
      %dma_start3A_87 = tpu.memref_slice %arg3[%mul3A_2] : memref<320000xi32, #tpu.memory_space<hbm>> -> memref<10000xi32, #tpu.memory_space<hbm>>
      %dma_start3A_88 = tpu.memref_slice %arg3[%mul3A_2] : memref<320000xi32, #tpu.memory_space<hbm>> -> memref<10000xi32, #tpu.memory_space<hbm>>
      tpu.enqueue_dma source(%dma_start3A_88 : memref<10000xi32, #tpu.memory_space<hbm>>) target(%arg7 : memref<10000xi32, #tpu.memory_space<vmem>>) target_semaphore(%run_scoped3A : memref<!tpu.dma_semaphore, #tpu.memory_space<semaphore_mem>>)
      %dma_wait3A_89 = tpu.memref_slice %arg3[%mul3A_2] : memref<320000xi32, #tpu.memory_space<hbm>> -> memref<10000xi32, #tpu.memory_space<hbm>>
      %dma_wait3A_90 = tpu.memref_slice %arg3[%mul3A_2] : memref<320000xi32, #tpu.memory_space<hbm>> -> memref<10000xi32, #tpu.memory_space<hbm>>
      tpu.wait_dma2 semaphore(%run_scoped3A : memref<!tpu.dma_semaphore, #tpu.memory_space<semaphore_mem>>) src(%dma_wait3A_90 : memref<10000xi32, #tpu.memory_space<hbm>>) dst(%arg7 : memref<10000xi32, #tpu.memory_space<vmem>>)
      tpu.yield
    }) : () -> ()
    %mul3A_3 = arith.constant 10000 : i32
    %mul3A_4 = arith.muli %add3A, %mul3A_3 : i32
    "tpu.region"() ({
      %run_scoped3A = tpu.sem_alloc : memref<!tpu.dma_semaphore, #tpu.memory_space<semaphore_mem>>
      %dma_start3A_87 = tpu.memref_slice %arg4[%mul3A_4] : memref<320000xi32, #tpu.memory_space<hbm>> -> memref<10000xi32, #tpu.memory_space<hbm>>
      %dma_start3A_88 = tpu.memref_slice %arg4[%mul3A_4] : memref<320000xi32, #tpu.memory_space<hbm>> -> memref<10000xi32, #tpu.memory_space<hbm>>
      tpu.enqueue_dma source(%dma_start3A_88 : memref<10000xi32, #tpu.memory_space<hbm>>) target(%arg8 : memref<10000xi32, #tpu.memory_space<vmem>>) target_semaphore(%run_scoped3A : memref<!tpu.dma_semaphore, #tpu.memory_space<semaphore_mem>>)
      %dma_wait3A_89 = tpu.memref_slice %arg4[%mul3A_4] : memref<320000xi32, #tpu.memory_space<hbm>> -> memref<10000xi32, #tpu.memory_space<hbm>>
      %dma_wait3A_90 = tpu.memref_slice %arg4[%mul3A_4] : memref<320000xi32, #tpu.memory_space<hbm>> -> memref<10000xi32, #tpu.memory_space<hbm>>
      tpu.wait_dma2 semaphore(%run_scoped3A : memref<!tpu.dma_semaphore, #tpu.memory_space<semaphore_mem>>) src(%dma_wait3A_90 : memref<10000xi32, #tpu.memory_space<hbm>>) dst(%arg8 : memref<10000xi32, #tpu.memory_space<vmem>>)
      tpu.yield
    }) : () -> ()
    %broadcast_in_dim3A = arith.constant 0.000000e+00 : f32
    %broadcast_in_dim3A_5 = vector.broadcast %broadcast_in_dim3A : f32 to vector<16xf32>
    %scan3A = arith.constant 0 : i32
    %scan3A_6 = arith.constant 0 : i32
    %scan3A_7 = arith.constant 160 : i32
    %scan3A_8 = arith.addi %scan3A_6, %scan3A_7 : i32
    %scan3A_9 = arith.constant 1 : i32
    scf.for %scan3A_87 = %scan3A_6 to %scan3A_8 step %scan3A_9  : i32 {
      %swap3A = arith.index_cast %scan3A_87 : i32 to index
      %swap3A_88 = arith.constant 0 : index
      %swap3A_89 = tpu.vector_load %arg9[%swap3A, %swap3A_88] {strides = array<i32>} : memref<200x128xf32, #tpu.memory_space<vmem>>, vector<1x16xf32>,
      %swap3A_90 = vector.shape_cast %swap3A_89 : vector<1x16xf32> to vector<16xf32>
      %swap3A_91 = vector.shape_cast %broadcast_in_dim3A_5 : vector<16xf32> to vector<1x16xf32>
      tpu.vector_store %arg9[%swap3A, %swap3A_88], %swap3A_91 {strides = array<i32>} : memref<200x128xf32, #tpu.memory_space<vmem>>, vector<1x16xf32>,
      %swap3A_92 = arith.index_cast %scan3A_87 : i32 to index
      %swap3A_93 = arith.constant 16 : index
      %swap3A_94 = tpu.vector_load %arg9[%swap3A_92, %swap3A_93] {strides = array<i32>} : memref<200x128xf32, #tpu.memory_space<vmem>>, vector<1x16xf32>,
      %swap3A_95 = vector.shape_cast %swap3A_94 : vector<1x16xf32> to vector<16xf32>
      %swap3A_96 = vector.shape_cast %broadcast_in_dim3A_5 : vector<16xf32> to vector<1x16xf32>
      tpu.vector_store %arg9[%swap3A_92, %swap3A_93], %swap3A_96 {strides = array<i32>} : memref<200x128xf32, #tpu.memory_space<vmem>>, vector<1x16xf32>,
      %swap3A_97 = arith.index_cast %scan3A_87 : i32 to index
      %swap3A_98 = arith.constant 32 : index
      %swap3A_99 = tpu.vector_load %arg9[%swap3A_97, %swap3A_98] {strides = array<i32>} : memref<200x128xf32, #tpu.memory_space<vmem>>, vector<1x16xf32>,
      %swap3A_100 = vector.shape_cast %swap3A_99 : vector<1x16xf32> to vector<16xf32>
      %swap3A_101 = vector.shape_cast %broadcast_in_dim3A_5 : vector<16xf32> to vector<1x16xf32>
      tpu.vector_store %arg9[%swap3A_97, %swap3A_98], %swap3A_101 {strides = array<i32>} : memref<200x128xf32, #tpu.memory_space<vmem>>, vector<1x16xf32>,
      %swap3A_102 = arith.index_cast %scan3A_87 : i32 to index
      %swap3A_103 = arith.constant 48 : index
      %swap3A_104 = tpu.vector_load %arg9[%swap3A_102, %swap3A_103] {strides = array<i32>} : memref<200x128xf32, #tpu.memory_space<vmem>>, vector<1x16xf32>,
      %swap3A_105 = vector.shape_cast %swap3A_104 : vector<1x16xf32> to vector<16xf32>
      %swap3A_106 = vector.shape_cast %broadcast_in_dim3A_5 : vector<16xf32> to vector<1x16xf32>
      tpu.vector_store %arg9[%swap3A_102, %swap3A_103], %swap3A_106 {strides = array<i32>} : memref<200x128xf32, #tpu.memory_space<vmem>>, vector<1x16xf32>,
      %swap3A_107 = arith.index_cast %scan3A_87 : i32 to index
      %swap3A_108 = arith.constant 64 : index
      %swap3A_109 = tpu.vector_load %arg9[%swap3A_107, %swap3A_108] {strides = array<i32>} : memref<200x128xf32, #tpu.memory_space<vmem>>, vector<1x16xf32>,
      %swap3A_110 = vector.shape_cast %swap3A_109 : vector<1x16xf32> to vector<16xf32>
      %swap3A_111 = vector.shape_cast %broadcast_in_dim3A_5 : vector<16xf32> to vector<1x16xf32>
      tpu.vector_store %arg9[%swap3A_107, %swap3A_108], %swap3A_111 {strides = array<i32>} : memref<200x128xf32, #tpu.memory_space<vmem>>, vector<1x16xf32>,
      %swap3A_112 = arith.index_cast %scan3A_87 : i32 to index
      %swap3A_113 = arith.constant 80 : index
      %swap3A_114 = tpu.vector_load %arg9[%swap3A_112, %swap3A_113] {strides = array<i32>} : memref<200x128xf32, #tpu.memory_space<vmem>>, vector<1x16xf32>,
      %swap3A_115 = vector.shape_cast %swap3A_114 : vector<1x16xf32> to vector<16xf32>
      %swap3A_116 = vector.shape_cast %broadcast_in_dim3A_5 : vector<16xf32> to vector<1x16xf32>
      tpu.vector_store %arg9[%swap3A_112, %swap3A_113], %swap3A_116 {strides = array<i32>} : memref<200x128xf32, #tpu.memory_space<vmem>>, vector<1x16xf32>,
      %swap3A_117 = arith.index_cast %scan3A_87 : i32 to index
      %swap3A_118 = arith.constant 96 : index
      %swap3A_119 = tpu.vector_load %arg9[%swap3A_117, %swap3A_118] {strides = array<i32>} : memref<200x128xf32, #tpu.memory_space<vmem>>, vector<1x16xf32>,
      %swap3A_120 = vector.shape_cast %swap3A_119 : vector<1x16xf32> to vector<16xf32>
      %swap3A_121 = vector.shape_cast %broadcast_in_dim3A_5 : vector<16xf32> to vector<1x16xf32>
      tpu.vector_store %arg9[%swap3A_117, %swap3A_118], %swap3A_121 {strides = array<i32>} : memref<200x128xf32, #tpu.memory_space<vmem>>, vector<1x16xf32>,
      %swap3A_122 = arith.index_cast %scan3A_87 : i32 to index
      %swap3A_123 = arith.constant 112 : index
      %swap3A_124 = tpu.vector_load %arg9[%swap3A_122, %swap3A_123] {strides = array<i32>} : memref<200x128xf32, #tpu.memory_space<vmem>>, vector<1x16xf32>,
      %swap3A_125 = vector.shape_cast %swap3A_124 : vector<1x16xf32> to vector<16xf32>
      %swap3A_126 = vector.shape_cast %broadcast_in_dim3A_5 : vector<16xf32> to vector<1x16xf32>
      tpu.vector_store %arg9[%swap3A_122, %swap3A_123], %swap3A_126 {strides = array<i32>} : memref<200x128xf32, #tpu.memory_space<vmem>>, vector<1x16xf32>,
    }
    %scan3A_10 = arith.constant 160 : i32
    %mul3A_11 = arith.constant 640 : i32
    %mul3A_12 = arith.muli %arg1, %mul3A_11 : i32
    %add3A_13 = arith.constant 0 : i32
    %add3A_14 = arith.addi %mul3A_12, %add3A_13 : i32
    "tpu.region"() ({
      %run_scoped3A = tpu.sem_alloc : memref<!tpu.dma_semaphore, #tpu.memory_space<semaphore_mem>>
      %dma_start3A_87 = arith.constant 0 : i32
      %dma_start3A_88 = arith.constant 0 : i32
      %dma_start3A_89 = tpu.memref_slice %arg9[%dma_start3A_87, %dma_start3A_88] : memref<200x128xf32, #tpu.memory_space<vmem>> -> memref<160x128xf32, #tpu.memory_space<vmem>>
      %dma_start3A_90 = arith.constant 0 : i32
      %dma_start3A_91 = tpu.memref_slice %arg10[%add3A_14, %dma_start3A_90] : memref<10240x128xf32, #tpu.memory_space<vmem_shared>> -> memref<160x128xf32, #tpu.memory_space<vmem_shared>>
      %dma_start3A_92 = arith.constant 0 : i32
      %dma_start3A_93 = tpu.memref_slice %arg10[%add3A_14, %dma_start3A_92] : memref<10240x128xf32, #tpu.memory_space<vmem_shared>> -> memref<160x128xf32, #tpu.memory_space<vmem_shared>>
      %dma_start3A_94 = arith.constant 0 : i32
      %dma_start3A_95 = arith.constant 0 : i32
      %dma_start3A_96 = tpu.memref_slice %arg9[%dma_start3A_94, %dma_start3A_95] : memref<200x128xf32, #tpu.memory_space<vmem>> -> memref<160x128xf32, #tpu.memory_space<vmem>>
      tpu.enqueue_dma source(%dma_start3A_96 : memref<160x128xf32, #tpu.memory_space<vmem>>) target(%dma_start3A_93 : memref<160x128xf32, #tpu.memory_space<vmem_shared>>) target_semaphore(%run_scoped3A : memref<!tpu.dma_semaphore, #tpu.memory_space<semaphore_mem>>)
      %dma_wait3A_97 = arith.constant 0 : i32
      %dma_wait3A_98 = arith.constant 0 : i32
      %dma_wait3A_99 = tpu.memref_slice %arg9[%dma_wait3A_97, %dma_wait3A_98] : memref<200x128xf32, #tpu.memory_space<vmem>> -> memref<160x128xf32, #tpu.memory_space<vmem>>
      %dma_wait3A_100 = arith.constant 0 : i32
      %dma_wait3A_101 = tpu.memref_slice %arg10[%add3A_14, %dma_wait3A_100] : memref<10240x128xf32, #tpu.memory_space<vmem_shared>> -> memref<160x128xf32, #tpu.memory_space<vmem_shared>>
      %dma_wait3A_102 = arith.constant 0 : i32
      %dma_wait3A_103 = tpu.memref_slice %arg10[%add3A_14, %dma_wait3A_102] : memref<10240x128xf32, #tpu.memory_space<vmem_shared>> -> memref<160x128xf32, #tpu.memory_space<vmem_shared>>
      %dma_wait3A_104 = arith.constant 0 : i32
      %dma_wait3A_105 = arith.constant 0 : i32
      %dma_wait3A_106 = tpu.memref_slice %arg9[%dma_wait3A_104, %dma_wait3A_105] : memref<200x128xf32, #tpu.memory_space<vmem>> -> memref<160x128xf32, #tpu.memory_space<vmem>>
      tpu.wait_dma2 semaphore(%run_scoped3A : memref<!tpu.dma_semaphore, #tpu.memory_space<semaphore_mem>>) src(%dma_wait3A_106 : memref<160x128xf32, #tpu.memory_space<vmem>>) dst(%dma_wait3A_103 : memref<160x128xf32, #tpu.memory_space<vmem_shared>>)
      tpu.yield
    }) : () -> ()
    %mul3A_15 = arith.constant 640 : i32
    %mul3A_16 = arith.muli %arg1, %mul3A_15 : i32
    %add3A_17 = arith.constant 160 : i32
    %add3A_18 = arith.addi %mul3A_16, %add3A_17 : i32
    "tpu.region"() ({
      %run_scoped3A = tpu.sem_alloc : memref<!tpu.dma_semaphore, #tpu.memory_space<semaphore_mem>>
      %dma_start3A_87 = arith.constant 0 : i32
      %dma_start3A_88 = arith.constant 0 : i32
      %dma_start3A_89 = tpu.memref_slice %arg9[%dma_start3A_87, %dma_start3A_88] : memref<200x128xf32, #tpu.memory_space<vmem>> -> memref<160x128xf32, #tpu.memory_space<vmem>>
      %dma_start3A_90 = arith.constant 0 : i32
      %dma_start3A_91 = tpu.memref_slice %arg10[%add3A_18, %dma_start3A_90] : memref<10240x128xf32, #tpu.memory_space<vmem_shared>> -> memref<160x128xf32, #tpu.memory_space<vmem_shared>>
      %dma_start3A_92 = arith.constant 0 : i32
      %dma_start3A_93 = tpu.memref_slice %arg10[%add3A_18, %dma_start3A_92] : memref<10240x128xf32, #tpu.memory_space<vmem_shared>> -> memref<160x128xf32, #tpu.memory_space<vmem_shared>>
      %dma_start3A_94 = arith.constant 0 : i32
      %dma_start3A_95 = arith.constant 0 : i32
      %dma_start3A_96 = tpu.memref_slice %arg9[%dma_start3A_94, %dma_start3A_95] : memref<200x128xf32, #tpu.memory_space<vmem>> -> memref<160x128xf32, #tpu.memory_space<vmem>>
      tpu.enqueue_dma source(%dma_start3A_96 : memref<160x128xf32, #tpu.memory_space<vmem>>) target(%dma_start3A_93 : memref<160x128xf32, #tpu.memory_space<vmem_shared>>) target_semaphore(%run_scoped3A : memref<!tpu.dma_semaphore, #tpu.memory_space<semaphore_mem>>)
      %dma_wait3A_97 = arith.constant 0 : i32
      %dma_wait3A_98 = arith.constant 0 : i32
      %dma_wait3A_99 = tpu.memref_slice %arg9[%dma_wait3A_97, %dma_wait3A_98] : memref<200x128xf32, #tpu.memory_space<vmem>> -> memref<160x128xf32, #tpu.memory_space<vmem>>
      %dma_wait3A_100 = arith.constant 0 : i32
      %dma_wait3A_101 = tpu.memref_slice %arg10[%add3A_18, %dma_wait3A_100] : memref<10240x128xf32, #tpu.memory_space<vmem_shared>> -> memref<160x128xf32, #tpu.memory_space<vmem_shared>>
      %dma_wait3A_102 = arith.constant 0 : i32
      %dma_wait3A_103 = tpu.memref_slice %arg10[%add3A_18, %dma_wait3A_102] : memref<10240x128xf32, #tpu.memory_space<vmem_shared>> -> memref<160x128xf32, #tpu.memory_space<vmem_shared>>
      %dma_wait3A_104 = arith.constant 0 : i32
      %dma_wait3A_105 = arith.constant 0 : i32
      %dma_wait3A_106 = tpu.memref_slice %arg9[%dma_wait3A_104, %dma_wait3A_105] : memref<200x128xf32, #tpu.memory_space<vmem>> -> memref<160x128xf32, #tpu.memory_space<vmem>>
      tpu.wait_dma2 semaphore(%run_scoped3A : memref<!tpu.dma_semaphore, #tpu.memory_space<semaphore_mem>>) src(%dma_wait3A_106 : memref<160x128xf32, #tpu.memory_space<vmem>>) dst(%dma_wait3A_103 : memref<160x128xf32, #tpu.memory_space<vmem_shared>>)
      tpu.yield
    }) : () -> ()
    %mul3A_19 = arith.constant 640 : i32
    %mul3A_20 = arith.muli %arg1, %mul3A_19 : i32
    %add3A_21 = arith.constant 320 : i32
    %add3A_22 = arith.addi %mul3A_20, %add3A_21 : i32
    "tpu.region"() ({
      %run_scoped3A = tpu.sem_alloc : memref<!tpu.dma_semaphore, #tpu.memory_space<semaphore_mem>>
      %dma_start3A_87 = arith.constant 0 : i32
      %dma_start3A_88 = arith.constant 0 : i32
      %dma_start3A_89 = tpu.memref_slice %arg9[%dma_start3A_87, %dma_start3A_88] : memref<200x128xf32, #tpu.memory_space<vmem>> -> memref<160x128xf32, #tpu.memory_space<vmem>>
      %dma_start3A_90 = arith.constant 0 : i32
      %dma_start3A_91 = tpu.memref_slice %arg10[%add3A_22, %dma_start3A_90] : memref<10240x128xf32, #tpu.memory_space<vmem_shared>> -> memref<160x128xf32, #tpu.memory_space<vmem_shared>>
      %dma_start3A_92 = arith.constant 0 : i32
      %dma_start3A_93 = tpu.memref_slice %arg10[%add3A_22, %dma_start3A_92] : memref<10240x128xf32, #tpu.memory_space<vmem_shared>> -> memref<160x128xf32, #tpu.memory_space<vmem_shared>>
      %dma_start3A_94 = arith.constant 0 : i32
      %dma_start3A_95 = arith.constant 0 : i32
      %dma_start3A_96 = tpu.memref_slice %arg9[%dma_start3A_94, %dma_start3A_95] : memref<200x128xf32, #tpu.memory_space<vmem>> -> memref<160x128xf32, #tpu.memory_space<vmem>>
      tpu.enqueue_dma source(%dma_start3A_96 : memref<160x128xf32, #tpu.memory_space<vmem>>) target(%dma_start3A_93 : memref<160x128xf32, #tpu.memory_space<vmem_shared>>) target_semaphore(%run_scoped3A : memref<!tpu.dma_semaphore, #tpu.memory_space<semaphore_mem>>)
      %dma_wait3A_97 = arith.constant 0 : i32
      %dma_wait3A_98 = arith.constant 0 : i32
      %dma_wait3A_99 = tpu.memref_slice %arg9[%dma_wait3A_97, %dma_wait3A_98] : memref<200x128xf32, #tpu.memory_space<vmem>> -> memref<160x128xf32, #tpu.memory_space<vmem>>
      %dma_wait3A_100 = arith.constant 0 : i32
      %dma_wait3A_101 = tpu.memref_slice %arg10[%add3A_22, %dma_wait3A_100] : memref<10240x128xf32, #tpu.memory_space<vmem_shared>> -> memref<160x128xf32, #tpu.memory_space<vmem_shared>>
      %dma_wait3A_102 = arith.constant 0 : i32
      %dma_wait3A_103 = tpu.memref_slice %arg10[%add3A_22, %dma_wait3A_102] : memref<10240x128xf32, #tpu.memory_space<vmem_shared>> -> memref<160x128xf32, #tpu.memory_space<vmem_shared>>
      %dma_wait3A_104 = arith.constant 0 : i32
      %dma_wait3A_105 = arith.constant 0 : i32
      %dma_wait3A_106 = tpu.memref_slice %arg9[%dma_wait3A_104, %dma_wait3A_105] : memref<200x128xf32, #tpu.memory_space<vmem>> -> memref<160x128xf32, #tpu.memory_space<vmem>>
      tpu.wait_dma2 semaphore(%run_scoped3A : memref<!tpu.dma_semaphore, #tpu.memory_space<semaphore_mem>>) src(%dma_wait3A_106 : memref<160x128xf32, #tpu.memory_space<vmem>>) dst(%dma_wait3A_103 : memref<160x128xf32, #tpu.memory_space<vmem_shared>>)
      tpu.yield
    }) : () -> ()
    %mul3A_23 = arith.constant 640 : i32
    %mul3A_24 = arith.muli %arg1, %mul3A_23 : i32
    %add3A_25 = arith.constant 480 : i32
    %add3A_26 = arith.addi %mul3A_24, %add3A_25 : i32
    "tpu.region"() ({
      %run_scoped3A = tpu.sem_alloc : memref<!tpu.dma_semaphore, #tpu.memory_space<semaphore_mem>>
      %dma_start3A_87 = arith.constant 0 : i32
      %dma_start3A_88 = arith.constant 0 : i32
      %dma_start3A_89 = tpu.memref_slice %arg9[%dma_start3A_87, %dma_start3A_88] : memref<200x128xf32, #tpu.memory_space<vmem>> -> memref<160x128xf32, #tpu.memory_space<vmem>>
      %dma_start3A_90 = arith.constant 0 : i32
      %dma_start3A_91 = tpu.memref_slice %arg10[%add3A_26, %dma_start3A_90] : memref<10240x128xf32, #tpu.memory_space<vmem_shared>> -> memref<160x128xf32, #tpu.memory_space<vmem_shared>>
      %dma_start3A_92 = arith.constant 0 : i32
      %dma_start3A_93 = tpu.memref_slice %arg10[%add3A_26, %dma_start3A_92] : memref<10240x128xf32, #tpu.memory_space<vmem_shared>> -> memref<160x128xf32, #tpu.memory_space<vmem_shared>>
      %dma_start3A_94 = arith.constant 0 : i32
      %dma_start3A_95 = arith.constant 0 : i32
      %dma_start3A_96 = tpu.memref_slice %arg9[%dma_start3A_94, %dma_start3A_95] : memref<200x128xf32, #tpu.memory_space<vmem>> -> memref<160x128xf32, #tpu.memory_space<vmem>>
      tpu.enqueue_dma source(%dma_start3A_96 : memref<160x128xf32, #tpu.memory_space<vmem>>) target(%dma_start3A_93 : memref<160x128xf32, #tpu.memory_space<vmem_shared>>) target_semaphore(%run_scoped3A : memref<!tpu.dma_semaphore, #tpu.memory_space<semaphore_mem>>)
      %dma_wait3A_97 = arith.constant 0 : i32
      %dma_wait3A_98 = arith.constant 0 : i32
      %dma_wait3A_99 = tpu.memref_slice %arg9[%dma_wait3A_97, %dma_wait3A_98] : memref<200x128xf32, #tpu.memory_space<vmem>> -> memref<160x128xf32, #tpu.memory_space<vmem>>
      %dma_wait3A_100 = arith.constant 0 : i32
      %dma_wait3A_101 = tpu.memref_slice %arg10[%add3A_26, %dma_wait3A_100] : memref<10240x128xf32, #tpu.memory_space<vmem_shared>> -> memref<160x128xf32, #tpu.memory_space<vmem_shared>>
      %dma_wait3A_102 = arith.constant 0 : i32
      %dma_wait3A_103 = tpu.memref_slice %arg10[%add3A_26, %dma_wait3A_102] : memref<10240x128xf32, #tpu.memory_space<vmem_shared>> -> memref<160x128xf32, #tpu.memory_space<vmem_shared>>
      %dma_wait3A_104 = arith.constant 0 : i32
      %dma_wait3A_105 = arith.constant 0 : i32
      %dma_wait3A_106 = tpu.memref_slice %arg9[%dma_wait3A_104, %dma_wait3A_105] : memref<200x128xf32, #tpu.memory_space<vmem>> -> memref<160x128xf32, #tpu.memory_space<vmem>>
      tpu.wait_dma2 semaphore(%run_scoped3A : memref<!tpu.dma_semaphore, #tpu.memory_space<semaphore_mem>>) src(%dma_wait3A_106 : memref<160x128xf32, #tpu.memory_space<vmem>>) dst(%dma_wait3A_103 : memref<160x128xf32, #tpu.memory_space<vmem_shared>>)
      tpu.yield
    }) : () -> ()
    %barrier3A = arith.constant 0 : index
    tpu.barrier barrier_id(%barrier3A)
    %dma_start3A = arith.constant 0 : i32
    %dma_start3A_27 = arith.constant 0 : i32
    %dma_start3A_28 = tpu.memref_slice %arg9[%dma_start3A, %dma_start3A_27] : memref<200x128xf32, #tpu.memory_space<vmem>> -> memref<40x128xf32, #tpu.memory_space<vmem>>
    %dma_start3A_29 = arith.constant 0 : i32
    %dma_start3A_30 = tpu.memref_slice %arg7[%dma_start3A_29] : memref<10000xi32, #tpu.memory_space<vmem>> -> memref<40xi32, #tpu.memory_space<vmem>>
    %dma_start3A_31 = arith.constant 0 : i32
    %dma_start3A_32 = arith.constant 0 : i32
    %dma_start3A_33 = tpu.memref_slice %arg2[%dma_start3A_31, %dma_start3A_32] : memref<10000x128xf32, #tpu.memory_space<hbm>> -> memref<10000x128xf32, #tpu.memory_space<hbm>>
    tpu.enqueue_indirect_dma source(%dma_start3A_33 : memref<10000x128xf32, #tpu.memory_space<hbm>>) target(%dma_start3A_28 : memref<40x128xf32, #tpu.memory_space<vmem>>) offsets(%dma_start3A_30 : memref<40xi32, #tpu.memory_space<vmem>>) semaphore(%arg11 : memref<!tpu.dma_semaphore, #tpu.memory_space<semaphore_mem>>)
    %dma_start3A_34 = arith.constant 40 : i32
    %dma_start3A_35 = arith.constant 0 : i32
    %dma_start3A_36 = tpu.memref_slice %arg9[%dma_start3A_34, %dma_start3A_35] : memref<200x128xf32, #tpu.memory_space<vmem>> -> memref<40x128xf32, #tpu.memory_space<vmem>>
    %dma_start3A_37 = arith.constant 40 : i32
    %dma_start3A_38 = tpu.memref_slice %arg7[%dma_start3A_37] : memref<10000xi32, #tpu.memory_space<vmem>> -> memref<40xi32, #tpu.memory_space<vmem>>
    %dma_start3A_39 = arith.constant 0 : i32
    %dma_start3A_40 = arith.constant 0 : i32
    %dma_start3A_41 = tpu.memref_slice %arg2[%dma_start3A_39, %dma_start3A_40] : memref<10000x128xf32, #tpu.memory_space<hbm>> -> memref<10000x128xf32, #tpu.memory_space<hbm>>
    tpu.enqueue_indirect_dma source(%dma_start3A_41 : memref<10000x128xf32, #tpu.memory_space<hbm>>) target(%dma_start3A_36 : memref<40x128xf32, #tpu.memory_space<vmem>>) offsets(%dma_start3A_38 : memref<40xi32, #tpu.memory_space<vmem>>) semaphore(%arg11 : memref<!tpu.dma_semaphore, #tpu.memory_space<semaphore_mem>>)
    %dma_start3A_42 = arith.constant 80 : i32
    %dma_start3A_43 = arith.constant 0 : i32
    %dma_start3A_44 = tpu.memref_slice %arg9[%dma_start3A_42, %dma_start3A_43] : memref<200x128xf32, #tpu.memory_space<vmem>> -> memref<40x128xf32, #tpu.memory_space<vmem>>
    %dma_start3A_45 = arith.constant 80 : i32
    %dma_start3A_46 = tpu.memref_slice %arg7[%dma_start3A_45] : memref<10000xi32, #tpu.memory_space<vmem>> -> memref<40xi32, #tpu.memory_space<vmem>>
    %dma_start3A_47 = arith.constant 0 : i32
    %dma_start3A_48 = arith.constant 0 : i32
    %dma_start3A_49 = tpu.memref_slice %arg2[%dma_start3A_47, %dma_start3A_48] : memref<10000x128xf32, #tpu.memory_space<hbm>> -> memref<10000x128xf32, #tpu.memory_space<hbm>>
    tpu.enqueue_indirect_dma source(%dma_start3A_49 : memref<10000x128xf32, #tpu.memory_space<hbm>>) target(%dma_start3A_44 : memref<40x128xf32, #tpu.memory_space<vmem>>) offsets(%dma_start3A_46 : memref<40xi32, #tpu.memory_space<vmem>>) semaphore(%arg11 : memref<!tpu.dma_semaphore, #tpu.memory_space<semaphore_mem>>)
    %scan3A_50 = arith.constant 0 : i32
    %scan3A_51 = arith.constant 0 : i32
    %scan3A_52 = arith.constant 50 : i32
    %scan3A_53 = arith.addi %scan3A_51, %scan3A_52 : i32
    %scan3A_54 = arith.constant 1 : i32
    scf.for %scan3A_87 = %scan3A_51 to %scan3A_53 step %scan3A_54  : i32 {
      %mul3A_88 = arith.constant 5 : i32
      %mul3A_89 = arith.muli %scan3A_87, %mul3A_88 : i32
      %add3A_90 = arith.constant 0 : i32
      %add3A_91 = arith.addi %mul3A_89, %add3A_90 : i32
      %ge3A = arith.constant 2 : i32
      %ge3A_92 = arith.cmpi sge, %add3A_91, %ge3A : i32
      %convert_element_type3A_93 = arith.extui %ge3A_92 : i1 to i32
      %cond3A_94 = arith.constant 0 : i32
      %cond3A_95 = arith.cmpi ne, %convert_element_type3A_93, %cond3A_94 : i32
      scf.if %cond3A_95 {
        %dma_wait3A_271 = arith.constant 0 : i32
        %dma_wait3A_272 = arith.constant 0 : i32
        %dma_wait3A_273 = tpu.memref_slice %arg9[%dma_wait3A_271, %dma_wait3A_272] : memref<200x128xf32, #tpu.memory_space<vmem>> -> memref<40x128xf32, #tpu.memory_space<vmem>>
        %dma_wait3A_274 = arith.constant 0 : i32
        %dma_wait3A_275 = arith.constant 0 : i32
        %dma_wait3A_276 = tpu.memref_slice %arg2[%dma_wait3A_274, %dma_wait3A_275] : memref<10000x128xf32, #tpu.memory_space<hbm>> -> memref<40x128xf32, #tpu.memory_space<hbm>>
        %dma_wait3A_277 = arith.constant 0 : i32
        %dma_wait3A_278 = arith.constant 0 : i32
        %dma_wait3A_279 = tpu.memref_slice %arg9[%dma_wait3A_277, %dma_wait3A_278] : memref<200x128xf32, #tpu.memory_space<vmem>> -> memref<40x128xf32, #tpu.memory_space<vmem>>
        %dma_wait3A_280 = arith.constant 0 : i32
        %dma_wait3A_281 = arith.constant 0 : i32
        %dma_wait3A_282 = tpu.memref_slice %arg2[%dma_wait3A_280, %dma_wait3A_281] : memref<10000x128xf32, #tpu.memory_space<hbm>> -> memref<40x128xf32, #tpu.memory_space<hbm>>
        tpu.wait_dma2 semaphore(%arg12 : memref<!tpu.dma_semaphore, #tpu.memory_space<semaphore_mem>>) src(%dma_wait3A_282 : memref<40x128xf32, #tpu.memory_space<hbm>>) dst(%dma_wait3A_279 : memref<40x128xf32, #tpu.memory_space<vmem>>)
      } else {
      }
      %add3A_96 = arith.constant 3 : i32
      %add3A_97 = arith.addi %add3A_91, %add3A_96 : i32
      %lt3A = arith.constant 250 : i32
      %lt3A_98 = arith.cmpi slt, %add3A_97, %lt3A : i32
      %convert_element_type3A_99 = arith.extui %lt3A_98 : i1 to i32
      %cond3A_100 = arith.constant 0 : i32
      %cond3A_101 = arith.cmpi ne, %convert_element_type3A_99, %cond3A_100 : i32
      scf.if %cond3A_101 {
        %add3A_271 = arith.constant 3 : i32
        %add3A_272 = arith.addi %add3A_91, %add3A_271 : i32
        %mul3A_273 = arith.constant 40 : i32
        %mul3A_274 = arith.muli %add3A_272, %mul3A_273 : i32
        %dma_start3A_275 = arith.constant 120 : i32
        %dma_start3A_276 = arith.constant 0 : i32
        %dma_start3A_277 = tpu.memref_slice %arg9[%dma_start3A_275, %dma_start3A_276] : memref<200x128xf32, #tpu.memory_space<vmem>> -> memref<40x128xf32, #tpu.memory_space<vmem>>
        %dma_start3A_278 = tpu.memref_slice %arg7[%mul3A_274] : memref<10000xi32, #tpu.memory_space<vmem>> -> memref<40xi32, #tpu.memory_space<vmem>>
        %dma_start3A_279 = arith.constant 0 : i32
        %dma_start3A_280 = arith.constant 0 : i32
        %dma_start3A_281 = tpu.memref_slice %arg2[%dma_start3A_279, %dma_start3A_280] : memref<10000x128xf32, #tpu.memory_space<hbm>> -> memref<10000x128xf32, #tpu.memory_space<hbm>>
        tpu.enqueue_indirect_dma source(%dma_start3A_281 : memref<10000x128xf32, #tpu.memory_space<hbm>>) target(%dma_start3A_277 : memref<40x128xf32, #tpu.memory_space<vmem>>) offsets(%dma_start3A_278 : memref<40xi32, #tpu.memory_space<vmem>>) semaphore(%arg11 : memref<!tpu.dma_semaphore, #tpu.memory_space<semaphore_mem>>)
      } else {
      }
      %dma_wait3A_102 = arith.constant 0 : i32
      %dma_wait3A_103 = arith.constant 0 : i32
      %dma_wait3A_104 = tpu.memref_slice %arg9[%dma_wait3A_102, %dma_wait3A_103] : memref<200x128xf32, #tpu.memory_space<vmem>> -> memref<40x128xf32, #tpu.memory_space<vmem>>
      %dma_wait3A_105 = arith.constant 0 : i32
      %dma_wait3A_106 = arith.constant 0 : i32
      %dma_wait3A_107 = tpu.memref_slice %arg2[%dma_wait3A_105, %dma_wait3A_106] : memref<10000x128xf32, #tpu.memory_space<hbm>> -> memref<40x128xf32, #tpu.memory_space<hbm>>
      %dma_wait3A_108 = arith.constant 0 : i32
      %dma_wait3A_109 = arith.constant 0 : i32
      %dma_wait3A_110 = tpu.memref_slice %arg9[%dma_wait3A_108, %dma_wait3A_109] : memref<200x128xf32, #tpu.memory_space<vmem>> -> memref<40x128xf32, #tpu.memory_space<vmem>>
      %dma_wait3A_111 = arith.constant 0 : i32
      %dma_wait3A_112 = arith.constant 0 : i32
      %dma_wait3A_113 = tpu.memref_slice %arg2[%dma_wait3A_111, %dma_wait3A_112] : memref<10000x128xf32, #tpu.memory_space<hbm>> -> memref<40x128xf32, #tpu.memory_space<hbm>>
      tpu.wait_dma2 semaphore(%arg11 : memref<!tpu.dma_semaphore, #tpu.memory_space<semaphore_mem>>) src(%dma_wait3A_113 : memref<40x128xf32, #tpu.memory_space<hbm>>) dst(%dma_wait3A_110 : memref<40x128xf32, #tpu.memory_space<vmem>>)
      %mul3A_114 = arith.constant 40 : i32
      %mul3A_115 = arith.muli %add3A_91, %mul3A_114 : i32
      %dma_start3A_116 = arith.constant 0 : i32
      %dma_start3A_117 = arith.constant 0 : i32
      %dma_start3A_118 = tpu.memref_slice %arg9[%dma_start3A_116, %dma_start3A_117] : memref<200x128xf32, #tpu.memory_space<vmem>> -> memref<40x128xf32, #tpu.memory_space<vmem>>
      %dma_start3A_119 = tpu.memref_slice %arg8[%mul3A_115] : memref<10000xi32, #tpu.memory_space<vmem>> -> memref<40xi32, #tpu.memory_space<vmem>>
      %dma_start3A_120 = arith.constant 0 : i32
      %dma_start3A_121 = arith.constant 0 : i32
      %dma_start3A_122 = tpu.memref_slice %arg10[%dma_start3A_120, %dma_start3A_121] : memref<10240x128xf32, #tpu.memory_space<vmem_shared>> -> memref<10240x128xf32, #tpu.memory_space<vmem_shared>>
      tpu.enqueue_indirect_dma source(%dma_start3A_118 : memref<40x128xf32, #tpu.memory_space<vmem>>) target(%dma_start3A_122 : memref<10240x128xf32, #tpu.memory_space<vmem_shared>>) offsets(%dma_start3A_119 : memref<40xi32, #tpu.memory_space<vmem>>) semaphore(%arg12 : memref<!tpu.dma_semaphore, #tpu.memory_space<semaphore_mem>>) {add = true}
      %mul3A_123 = arith.constant 5 : i32
      %mul3A_124 = arith.muli %scan3A_87, %mul3A_123 : i32
      %add3A_125 = arith.constant 1 : i32
      %add3A_126 = arith.addi %mul3A_124, %add3A_125 : i32
      %ge3A_127 = arith.constant 2 : i32
      %ge3A_128 = arith.cmpi sge, %add3A_126, %ge3A_127 : i32
      %convert_element_type3A_129 = arith.extui %ge3A_128 : i1 to i32
      %cond3A_130 = arith.constant 0 : i32
      %cond3A_131 = arith.cmpi ne, %convert_element_type3A_129, %cond3A_130 : i32
      scf.if %cond3A_131 {
        %dma_wait3A_271 = arith.constant 0 : i32
        %dma_wait3A_272 = arith.constant 0 : i32
        %dma_wait3A_273 = tpu.memref_slice %arg9[%dma_wait3A_271, %dma_wait3A_272] : memref<200x128xf32, #tpu.memory_space<vmem>> -> memref<40x128xf32, #tpu.memory_space<vmem>>
        %dma_wait3A_274 = arith.constant 0 : i32
        %dma_wait3A_275 = arith.constant 0 : i32
        %dma_wait3A_276 = tpu.memref_slice %arg2[%dma_wait3A_274, %dma_wait3A_275] : memref<10000x128xf32, #tpu.memory_space<hbm>> -> memref<40x128xf32, #tpu.memory_space<hbm>>
        %dma_wait3A_277 = arith.constant 0 : i32
        %dma_wait3A_278 = arith.constant 0 : i32
        %dma_wait3A_279 = tpu.memref_slice %arg9[%dma_wait3A_277, %dma_wait3A_278] : memref<200x128xf32, #tpu.memory_space<vmem>> -> memref<40x128xf32, #tpu.memory_space<vmem>>
        %dma_wait3A_280 = arith.constant 0 : i32
        %dma_wait3A_281 = arith.constant 0 : i32
        %dma_wait3A_282 = tpu.memref_slice %arg2[%dma_wait3A_280, %dma_wait3A_281] : memref<10000x128xf32, #tpu.memory_space<hbm>> -> memref<40x128xf32, #tpu.memory_space<hbm>>
        tpu.wait_dma2 semaphore(%arg12 : memref<!tpu.dma_semaphore, #tpu.memory_space<semaphore_mem>>) src(%dma_wait3A_282 : memref<40x128xf32, #tpu.memory_space<hbm>>) dst(%dma_wait3A_279 : memref<40x128xf32, #tpu.memory_space<vmem>>)
      } else {
      }
      %add3A_132 = arith.constant 3 : i32
      %add3A_133 = arith.addi %add3A_126, %add3A_132 : i32
      %lt3A_134 = arith.constant 250 : i32
      %lt3A_135 = arith.cmpi slt, %add3A_133, %lt3A_134 : i32
      %convert_element_type3A_136 = arith.extui %lt3A_135 : i1 to i32
      %cond3A_137 = arith.constant 0 : i32
      %cond3A_138 = arith.cmpi ne, %convert_element_type3A_136, %cond3A_137 : i32
      scf.if %cond3A_138 {
        %add3A_271 = arith.constant 3 : i32
        %add3A_272 = arith.addi %add3A_126, %add3A_271 : i32
        %mul3A_273 = arith.constant 40 : i32
        %mul3A_274 = arith.muli %add3A_272, %mul3A_273 : i32
        %dma_start3A_275 = arith.constant 160 : i32
        %dma_start3A_276 = arith.constant 0 : i32
        %dma_start3A_277 = tpu.memref_slice %arg9[%dma_start3A_275, %dma_start3A_276] : memref<200x128xf32, #tpu.memory_space<vmem>> -> memref<40x128xf32, #tpu.memory_space<vmem>>
        %dma_start3A_278 = tpu.memref_slice %arg7[%mul3A_274] : memref<10000xi32, #tpu.memory_space<vmem>> -> memref<40xi32, #tpu.memory_space<vmem>>
        %dma_start3A_279 = arith.constant 0 : i32
        %dma_start3A_280 = arith.constant 0 : i32
        %dma_start3A_281 = tpu.memref_slice %arg2[%dma_start3A_279, %dma_start3A_280] : memref<10000x128xf32, #tpu.memory_space<hbm>> -> memref<10000x128xf32, #tpu.memory_space<hbm>>
        tpu.enqueue_indirect_dma source(%dma_start3A_281 : memref<10000x128xf32, #tpu.memory_space<hbm>>) target(%dma_start3A_277 : memref<40x128xf32, #tpu.memory_space<vmem>>) offsets(%dma_start3A_278 : memref<40xi32, #tpu.memory_space<vmem>>) semaphore(%arg11 : memref<!tpu.dma_semaphore, #tpu.memory_space<semaphore_mem>>)
      } else {
      }
      %dma_wait3A_139 = arith.constant 0 : i32
      %dma_wait3A_140 = arith.constant 0 : i32
      %dma_wait3A_141 = tpu.memref_slice %arg9[%dma_wait3A_139, %dma_wait3A_140] : memref<200x128xf32, #tpu.memory_space<vmem>> -> memref<40x128xf32, #tpu.memory_space<vmem>>
      %dma_wait3A_142 = arith.constant 0 : i32
      %dma_wait3A_143 = arith.constant 0 : i32
      %dma_wait3A_144 = tpu.memref_slice %arg2[%dma_wait3A_142, %dma_wait3A_143] : memref<10000x128xf32, #tpu.memory_space<hbm>> -> memref<40x128xf32, #tpu.memory_space<hbm>>
      %dma_wait3A_145 = arith.constant 0 : i32
      %dma_wait3A_146 = arith.constant 0 : i32
      %dma_wait3A_147 = tpu.memref_slice %arg9[%dma_wait3A_145, %dma_wait3A_146] : memref<200x128xf32, #tpu.memory_space<vmem>> -> memref<40x128xf32, #tpu.memory_space<vmem>>
      %dma_wait3A_148 = arith.constant 0 : i32
      %dma_wait3A_149 = arith.constant 0 : i32
      %dma_wait3A_150 = tpu.memref_slice %arg2[%dma_wait3A_148, %dma_wait3A_149] : memref<10000x128xf32, #tpu.memory_space<hbm>> -> memref<40x128xf32, #tpu.memory_space<hbm>>
      tpu.wait_dma2 semaphore(%arg11 : memref<!tpu.dma_semaphore, #tpu.memory_space<semaphore_mem>>) src(%dma_wait3A_150 : memref<40x128xf32, #tpu.memory_space<hbm>>) dst(%dma_wait3A_147 : memref<40x128xf32, #tpu.memory_space<vmem>>)
      %mul3A_151 = arith.constant 40 : i32
      %mul3A_152 = arith.muli %add3A_126, %mul3A_151 : i32
      %dma_start3A_153 = arith.constant 40 : i32
      %dma_start3A_154 = arith.constant 0 : i32
      %dma_start3A_155 = tpu.memref_slice %arg9[%dma_start3A_153, %dma_start3A_154] : memref<200x128xf32, #tpu.memory_space<vmem>> -> memref<40x128xf32, #tpu.memory_space<vmem>>
      %dma_start3A_156 = tpu.memref_slice %arg8[%mul3A_152] : memref<10000xi32, #tpu.memory_space<vmem>> -> memref<40xi32, #tpu.memory_space<vmem>>
      %dma_start3A_157 = arith.constant 0 : i32
      %dma_start3A_158 = arith.constant 0 : i32
      %dma_start3A_159 = tpu.memref_slice %arg10[%dma_start3A_157, %dma_start3A_158] : memref<10240x128xf32, #tpu.memory_space<vmem_shared>> -> memref<10240x128xf32, #tpu.memory_space<vmem_shared>>
      tpu.enqueue_indirect_dma source(%dma_start3A_155 : memref<40x128xf32, #tpu.memory_space<vmem>>) target(%dma_start3A_159 : memref<10240x128xf32, #tpu.memory_space<vmem_shared>>) offsets(%dma_start3A_156 : memref<40xi32, #tpu.memory_space<vmem>>) semaphore(%arg12 : memref<!tpu.dma_semaphore, #tpu.memory_space<semaphore_mem>>) {add = true}
      %mul3A_160 = arith.constant 5 : i32
      %mul3A_161 = arith.muli %scan3A_87, %mul3A_160 : i32
      %add3A_162 = arith.constant 2 : i32
      %add3A_163 = arith.addi %mul3A_161, %add3A_162 : i32
      %ge3A_164 = arith.constant 2 : i32
      %ge3A_165 = arith.cmpi sge, %add3A_163, %ge3A_164 : i32
      %convert_element_type3A_166 = arith.extui %ge3A_165 : i1 to i32
      %cond3A_167 = arith.constant 0 : i32
      %cond3A_168 = arith.cmpi ne, %convert_element_type3A_166, %cond3A_167 : i32
      scf.if %cond3A_168 {
        %dma_wait3A_271 = arith.constant 0 : i32
        %dma_wait3A_272 = arith.constant 0 : i32
        %dma_wait3A_273 = tpu.memref_slice %arg9[%dma_wait3A_271, %dma_wait3A_272] : memref<200x128xf32, #tpu.memory_space<vmem>> -> memref<40x128xf32, #tpu.memory_space<vmem>>
        %dma_wait3A_274 = arith.constant 0 : i32
        %dma_wait3A_275 = arith.constant 0 : i32
        %dma_wait3A_276 = tpu.memref_slice %arg2[%dma_wait3A_274, %dma_wait3A_275] : memref<10000x128xf32, #tpu.memory_space<hbm>> -> memref<40x128xf32, #tpu.memory_space<hbm>>
        %dma_wait3A_277 = arith.constant 0 : i32
        %dma_wait3A_278 = arith.constant 0 : i32
        %dma_wait3A_279 = tpu.memref_slice %arg9[%dma_wait3A_277, %dma_wait3A_278] : memref<200x128xf32, #tpu.memory_space<vmem>> -> memref<40x128xf32, #tpu.memory_space<vmem>>
        %dma_wait3A_280 = arith.constant 0 : i32
        %dma_wait3A_281 = arith.constant 0 : i32
        %dma_wait3A_282 = tpu.memref_slice %arg2[%dma_wait3A_280, %dma_wait3A_281] : memref<10000x128xf32, #tpu.memory_space<hbm>> -> memref<40x128xf32, #tpu.memory_space<hbm>>
        tpu.wait_dma2 semaphore(%arg12 : memref<!tpu.dma_semaphore, #tpu.memory_space<semaphore_mem>>) src(%dma_wait3A_282 : memref<40x128xf32, #tpu.memory_space<hbm>>) dst(%dma_wait3A_279 : memref<40x128xf32, #tpu.memory_space<vmem>>)
      } else {
      }
      %add3A_169 = arith.constant 3 : i32
      %add3A_170 = arith.addi %add3A_163, %add3A_169 : i32
      %lt3A_171 = arith.constant 250 : i32
      %lt3A_172 = arith.cmpi slt, %add3A_170, %lt3A_171 : i32
      %convert_element_type3A_173 = arith.extui %lt3A_172 : i1 to i32
      %cond3A_174 = arith.constant 0 : i32
      %cond3A_175 = arith.cmpi ne, %convert_element_type3A_173, %cond3A_174 : i32
      scf.if %cond3A_175 {
        %add3A_271 = arith.constant 3 : i32
        %add3A_272 = arith.addi %add3A_163, %add3A_271 : i32
        %mul3A_273 = arith.constant 40 : i32
        %mul3A_274 = arith.muli %add3A_272, %mul3A_273 : i32
        %dma_start3A_275 = arith.constant 0 : i32
        %dma_start3A_276 = arith.constant 0 : i32
        %dma_start3A_277 = tpu.memref_slice %arg9[%dma_start3A_275, %dma_start3A_276] : memref<200x128xf32, #tpu.memory_space<vmem>> -> memref<40x128xf32, #tpu.memory_space<vmem>>
        %dma_start3A_278 = tpu.memref_slice %arg7[%mul3A_274] : memref<10000xi32, #tpu.memory_space<vmem>> -> memref<40xi32, #tpu.memory_space<vmem>>
        %dma_start3A_279 = arith.constant 0 : i32
        %dma_start3A_280 = arith.constant 0 : i32
        %dma_start3A_281 = tpu.memref_slice %arg2[%dma_start3A_279, %dma_start3A_280] : memref<10000x128xf32, #tpu.memory_space<hbm>> -> memref<10000x128xf32, #tpu.memory_space<hbm>>
        tpu.enqueue_indirect_dma source(%dma_start3A_281 : memref<10000x128xf32, #tpu.memory_space<hbm>>) target(%dma_start3A_277 : memref<40x128xf32, #tpu.memory_space<vmem>>) offsets(%dma_start3A_278 : memref<40xi32, #tpu.memory_space<vmem>>) semaphore(%arg11 : memref<!tpu.dma_semaphore, #tpu.memory_space<semaphore_mem>>)
      } else {
      }
      %dma_wait3A_176 = arith.constant 0 : i32
      %dma_wait3A_177 = arith.constant 0 : i32
      %dma_wait3A_178 = tpu.memref_slice %arg9[%dma_wait3A_176, %dma_wait3A_177] : memref<200x128xf32, #tpu.memory_space<vmem>> -> memref<40x128xf32, #tpu.memory_space<vmem>>
      %dma_wait3A_179 = arith.constant 0 : i32
      %dma_wait3A_180 = arith.constant 0 : i32
      %dma_wait3A_181 = tpu.memref_slice %arg2[%dma_wait3A_179, %dma_wait3A_180] : memref<10000x128xf32, #tpu.memory_space<hbm>> -> memref<40x128xf32, #tpu.memory_space<hbm>>
      %dma_wait3A_182 = arith.constant 0 : i32
      %dma_wait3A_183 = arith.constant 0 : i32
      %dma_wait3A_184 = tpu.memref_slice %arg9[%dma_wait3A_182, %dma_wait3A_183] : memref<200x128xf32, #tpu.memory_space<vmem>> -> memref<40x128xf32, #tpu.memory_space<vmem>>
      %dma_wait3A_185 = arith.constant 0 : i32
      %dma_wait3A_186 = arith.constant 0 : i32
      %dma_wait3A_187 = tpu.memref_slice %arg2[%dma_wait3A_185, %dma_wait3A_186] : memref<10000x128xf32, #tpu.memory_space<hbm>> -> memref<40x128xf32, #tpu.memory_space<hbm>>
      tpu.wait_dma2 semaphore(%arg11 : memref<!tpu.dma_semaphore, #tpu.memory_space<semaphore_mem>>) src(%dma_wait3A_187 : memref<40x128xf32, #tpu.memory_space<hbm>>) dst(%dma_wait3A_184 : memref<40x128xf32, #tpu.memory_space<vmem>>)
      %mul3A_188 = arith.constant 40 : i32
      %mul3A_189 = arith.muli %add3A_163, %mul3A_188 : i32
      %dma_start3A_190 = arith.constant 80 : i32
      %dma_start3A_191 = arith.constant 0 : i32
      %dma_start3A_192 = tpu.memref_slice %arg9[%dma_start3A_190, %dma_start3A_191] : memref<200x128xf32, #tpu.memory_space<vmem>> -> memref<40x128xf32, #tpu.memory_space<vmem>>
      %dma_start3A_193 = tpu.memref_slice %arg8[%mul3A_189] : memref<10000xi32, #tpu.memory_space<vmem>> -> memref<40xi32, #tpu.memory_space<vmem>>
      %dma_start3A_194 = arith.constant 0 : i32
      %dma_start3A_195 = arith.constant 0 : i32
      %dma_start3A_196 = tpu.memref_slice %arg10[%dma_start3A_194, %dma_start3A_195] : memref<10240x128xf32, #tpu.memory_space<vmem_shared>> -> memref<10240x128xf32, #tpu.memory_space<vmem_shared>>
      tpu.enqueue_indirect_dma source(%dma_start3A_192 : memref<40x128xf32, #tpu.memory_space<vmem>>) target(%dma_start3A_196 : memref<10240x128xf32, #tpu.memory_space<vmem_shared>>) offsets(%dma_start3A_193 : memref<40xi32, #tpu.memory_space<vmem>>) semaphore(%arg12 : memref<!tpu.dma_semaphore, #tpu.memory_space<semaphore_mem>>) {add = true}
      %mul3A_197 = arith.constant 5 : i32
      %mul3A_198 = arith.muli %scan3A_87, %mul3A_197 : i32
      %add3A_199 = arith.constant 3 : i32
      %add3A_200 = arith.addi %mul3A_198, %add3A_199 : i32
      %ge3A_201 = arith.constant 2 : i32
      %ge3A_202 = arith.cmpi sge, %add3A_200, %ge3A_201 : i32
      %convert_element_type3A_203 = arith.extui %ge3A_202 : i1 to i32
      %cond3A_204 = arith.constant 0 : i32
      %cond3A_205 = arith.cmpi ne, %convert_element_type3A_203, %cond3A_204 : i32
      scf.if %cond3A_205 {
        %dma_wait3A_271 = arith.constant 0 : i32
        %dma_wait3A_272 = arith.constant 0 : i32
        %dma_wait3A_273 = tpu.memref_slice %arg9[%dma_wait3A_271, %dma_wait3A_272] : memref<200x128xf32, #tpu.memory_space<vmem>> -> memref<40x128xf32, #tpu.memory_space<vmem>>
        %dma_wait3A_274 = arith.constant 0 : i32
        %dma_wait3A_275 = arith.constant 0 : i32
        %dma_wait3A_276 = tpu.memref_slice %arg2[%dma_wait3A_274, %dma_wait3A_275] : memref<10000x128xf32, #tpu.memory_space<hbm>> -> memref<40x128xf32, #tpu.memory_space<hbm>>
        %dma_wait3A_277 = arith.constant 0 : i32
        %dma_wait3A_278 = arith.constant 0 : i32
        %dma_wait3A_279 = tpu.memref_slice %arg9[%dma_wait3A_277, %dma_wait3A_278] : memref<200x128xf32, #tpu.memory_space<vmem>> -> memref<40x128xf32, #tpu.memory_space<vmem>>
        %dma_wait3A_280 = arith.constant 0 : i32
        %dma_wait3A_281 = arith.constant 0 : i32
        %dma_wait3A_282 = tpu.memref_slice %arg2[%dma_wait3A_280, %dma_wait3A_281] : memref<10000x128xf32, #tpu.memory_space<hbm>> -> memref<40x128xf32, #tpu.memory_space<hbm>>
        tpu.wait_dma2 semaphore(%arg12 : memref<!tpu.dma_semaphore, #tpu.memory_space<semaphore_mem>>) src(%dma_wait3A_282 : memref<40x128xf32, #tpu.memory_space<hbm>>) dst(%dma_wait3A_279 : memref<40x128xf32, #tpu.memory_space<vmem>>)
      } else {
      }
      %add3A_206 = arith.constant 3 : i32
      %add3A_207 = arith.addi %add3A_200, %add3A_206 : i32
      %lt3A_208 = arith.constant 250 : i32
      %lt3A_209 = arith.cmpi slt, %add3A_207, %lt3A_208 : i32
      %convert_element_type3A_210 = arith.extui %lt3A_209 : i1 to i32
      %cond3A_211 = arith.constant 0 : i32
      %cond3A_212 = arith.cmpi ne, %convert_element_type3A_210, %cond3A_211 : i32
      scf.if %cond3A_212 {
        %add3A_271 = arith.constant 3 : i32
        %add3A_272 = arith.addi %add3A_200, %add3A_271 : i32
        %mul3A_273 = arith.constant 40 : i32
        %mul3A_274 = arith.muli %add3A_272, %mul3A_273 : i32
        %dma_start3A_275 = arith.constant 40 : i32
        %dma_start3A_276 = arith.constant 0 : i32
        %dma_start3A_277 = tpu.memref_slice %arg9[%dma_start3A_275, %dma_start3A_276] : memref<200x128xf32, #tpu.memory_space<vmem>> -> memref<40x128xf32, #tpu.memory_space<vmem>>
        %dma_start3A_278 = tpu.memref_slice %arg7[%mul3A_274] : memref<10000xi32, #tpu.memory_space<vmem>> -> memref<40xi32, #tpu.memory_space<vmem>>
        %dma_start3A_279 = arith.constant 0 : i32
        %dma_start3A_280 = arith.constant 0 : i32
        %dma_start3A_281 = tpu.memref_slice %arg2[%dma_start3A_279, %dma_start3A_280] : memref<10000x128xf32, #tpu.memory_space<hbm>> -> memref<10000x128xf32, #tpu.memory_space<hbm>>
        tpu.enqueue_indirect_dma source(%dma_start3A_281 : memref<10000x128xf32, #tpu.memory_space<hbm>>) target(%dma_start3A_277 : memref<40x128xf32, #tpu.memory_space<vmem>>) offsets(%dma_start3A_278 : memref<40xi32, #tpu.memory_space<vmem>>) semaphore(%arg11 : memref<!tpu.dma_semaphore, #tpu.memory_space<semaphore_mem>>)
      } else {
      }
      %dma_wait3A_213 = arith.constant 0 : i32
      %dma_wait3A_214 = arith.constant 0 : i32
      %dma_wait3A_215 = tpu.memref_slice %arg9[%dma_wait3A_213, %dma_wait3A_214] : memref<200x128xf32, #tpu.memory_space<vmem>> -> memref<40x128xf32, #tpu.memory_space<vmem>>
      %dma_wait3A_216 = arith.constant 0 : i32
      %dma_wait3A_217 = arith.constant 0 : i32
      %dma_wait3A_218 = tpu.memref_slice %arg2[%dma_wait3A_216, %dma_wait3A_217] : memref<10000x128xf32, #tpu.memory_space<hbm>> -> memref<40x128xf32, #tpu.memory_space<hbm>>
      %dma_wait3A_219 = arith.constant 0 : i32
      %dma_wait3A_220 = arith.constant 0 : i32
      %dma_wait3A_221 = tpu.memref_slice %arg9[%dma_wait3A_219, %dma_wait3A_220] : memref<200x128xf32, #tpu.memory_space<vmem>> -> memref<40x128xf32, #tpu.memory_space<vmem>>
      %dma_wait3A_222 = arith.constant 0 : i32
      %dma_wait3A_223 = arith.constant 0 : i32
      %dma_wait3A_224 = tpu.memref_slice %arg2[%dma_wait3A_222, %dma_wait3A_223] : memref<10000x128xf32, #tpu.memory_space<hbm>> -> memref<40x128xf32, #tpu.memory_space<hbm>>
      tpu.wait_dma2 semaphore(%arg11 : memref<!tpu.dma_semaphore, #tpu.memory_space<semaphore_mem>>) src(%dma_wait3A_224 : memref<40x128xf32, #tpu.memory_space<hbm>>) dst(%dma_wait3A_221 : memref<40x128xf32, #tpu.memory_space<vmem>>)
      %mul3A_225 = arith.constant 40 : i32
      %mul3A_226 = arith.muli %add3A_200, %mul3A_225 : i32
      %dma_start3A_227 = arith.constant 120 : i32
      %dma_start3A_228 = arith.constant 0 : i32
      %dma_start3A_229 = tpu.memref_slice %arg9[%dma_start3A_227, %dma_start3A_228] : memref<200x128xf32, #tpu.memory_space<vmem>> -> memref<40x128xf32, #tpu.memory_space<vmem>>
      %dma_start3A_230 = tpu.memref_slice %arg8[%mul3A_226] : memref<10000xi32, #tpu.memory_space<vmem>> -> memref<40xi32, #tpu.memory_space<vmem>>
      %dma_start3A_231 = arith.constant 0 : i32
      %dma_start3A_232 = arith.constant 0 : i32
      %dma_start3A_233 = tpu.memref_slice %arg10[%dma_start3A_231, %dma_start3A_232] : memref<10240x128xf32, #tpu.memory_space<vmem_shared>> -> memref<10240x128xf32, #tpu.memory_space<vmem_shared>>
      tpu.enqueue_indirect_dma source(%dma_start3A_229 : memref<40x128xf32, #tpu.memory_space<vmem>>) target(%dma_start3A_233 : memref<10240x128xf32, #tpu.memory_space<vmem_shared>>) offsets(%dma_start3A_230 : memref<40xi32, #tpu.memory_space<vmem>>) semaphore(%arg12 : memref<!tpu.dma_semaphore, #tpu.memory_space<semaphore_mem>>) {add = true}
      %mul3A_234 = arith.constant 5 : i32
      %mul3A_235 = arith.muli %scan3A_87, %mul3A_234 : i32
      %add3A_236 = arith.constant 4 : i32
      %add3A_237 = arith.addi %mul3A_235, %add3A_236 : i32
      %ge3A_238 = arith.constant 2 : i32
      %ge3A_239 = arith.cmpi sge, %add3A_237, %ge3A_238 : i32
      %convert_element_type3A_240 = arith.extui %ge3A_239 : i1 to i32
      %cond3A_241 = arith.constant 0 : i32
      %cond3A_242 = arith.cmpi ne, %convert_element_type3A_240, %cond3A_241 : i32
      scf.if %cond3A_242 {
        %dma_wait3A_271 = arith.constant 0 : i32
        %dma_wait3A_272 = arith.constant 0 : i32
        %dma_wait3A_273 = tpu.memref_slice %arg9[%dma_wait3A_271, %dma_wait3A_272] : memref<200x128xf32, #tpu.memory_space<vmem>> -> memref<40x128xf32, #tpu.memory_space<vmem>>
        %dma_wait3A_274 = arith.constant 0 : i32
        %dma_wait3A_275 = arith.constant 0 : i32
        %dma_wait3A_276 = tpu.memref_slice %arg2[%dma_wait3A_274, %dma_wait3A_275] : memref<10000x128xf32, #tpu.memory_space<hbm>> -> memref<40x128xf32, #tpu.memory_space<hbm>>
        %dma_wait3A_277 = arith.constant 0 : i32
        %dma_wait3A_278 = arith.constant 0 : i32
        %dma_wait3A_279 = tpu.memref_slice %arg9[%dma_wait3A_277, %dma_wait3A_278] : memref<200x128xf32, #tpu.memory_space<vmem>> -> memref<40x128xf32, #tpu.memory_space<vmem>>
        %dma_wait3A_280 = arith.constant 0 : i32
        %dma_wait3A_281 = arith.constant 0 : i32
        %dma_wait3A_282 = tpu.memref_slice %arg2[%dma_wait3A_280, %dma_wait3A_281] : memref<10000x128xf32, #tpu.memory_space<hbm>> -> memref<40x128xf32, #tpu.memory_space<hbm>>
        tpu.wait_dma2 semaphore(%arg12 : memref<!tpu.dma_semaphore, #tpu.memory_space<semaphore_mem>>) src(%dma_wait3A_282 : memref<40x128xf32, #tpu.memory_space<hbm>>) dst(%dma_wait3A_279 : memref<40x128xf32, #tpu.memory_space<vmem>>)
      } else {
      }
      %add3A_243 = arith.constant 3 : i32
      %add3A_244 = arith.addi %add3A_237, %add3A_243 : i32
      %lt3A_245 = arith.constant 250 : i32
      %lt3A_246 = arith.cmpi slt, %add3A_244, %lt3A_245 : i32
      %convert_element_type3A_247 = arith.extui %lt3A_246 : i1 to i32
      %cond3A_248 = arith.constant 0 : i32
      %cond3A_249 = arith.cmpi ne, %convert_element_type3A_247, %cond3A_248 : i32
      scf.if %cond3A_249 {
        %add3A_271 = arith.constant 3 : i32
        %add3A_272 = arith.addi %add3A_237, %add3A_271 : i32
        %mul3A_273 = arith.constant 40 : i32
        %mul3A_274 = arith.muli %add3A_272, %mul3A_273 : i32
        %dma_start3A_275 = arith.constant 80 : i32
        %dma_start3A_276 = arith.constant 0 : i32
        %dma_start3A_277 = tpu.memref_slice %arg9[%dma_start3A_275, %dma_start3A_276] : memref<200x128xf32, #tpu.memory_space<vmem>> -> memref<40x128xf32, #tpu.memory_space<vmem>>
        %dma_start3A_278 = tpu.memref_slice %arg7[%mul3A_274] : memref<10000xi32, #tpu.memory_space<vmem>> -> memref<40xi32, #tpu.memory_space<vmem>>
        %dma_start3A_279 = arith.constant 0 : i32
        %dma_start3A_280 = arith.constant 0 : i32
        %dma_start3A_281 = tpu.memref_slice %arg2[%dma_start3A_279, %dma_start3A_280] : memref<10000x128xf32, #tpu.memory_space<hbm>> -> memref<10000x128xf32, #tpu.memory_space<hbm>>
        tpu.enqueue_indirect_dma source(%dma_start3A_281 : memref<10000x128xf32, #tpu.memory_space<hbm>>) target(%dma_start3A_277 : memref<40x128xf32, #tpu.memory_space<vmem>>) offsets(%dma_start3A_278 : memref<40xi32, #tpu.memory_space<vmem>>) semaphore(%arg11 : memref<!tpu.dma_semaphore, #tpu.memory_space<semaphore_mem>>)
      } else {
      }
      %dma_wait3A_250 = arith.constant 0 : i32
      %dma_wait3A_251 = arith.constant 0 : i32
      %dma_wait3A_252 = tpu.memref_slice %arg9[%dma_wait3A_250, %dma_wait3A_251] : memref<200x128xf32, #tpu.memory_space<vmem>> -> memref<40x128xf32, #tpu.memory_space<vmem>>
      %dma_wait3A_253 = arith.constant 0 : i32
      %dma_wait3A_254 = arith.constant 0 : i32
      %dma_wait3A_255 = tpu.memref_slice %arg2[%dma_wait3A_253, %dma_wait3A_254] : memref<10000x128xf32, #tpu.memory_space<hbm>> -> memref<40x128xf32, #tpu.memory_space<hbm>>
      %dma_wait3A_256 = arith.constant 0 : i32
      %dma_wait3A_257 = arith.constant 0 : i32
      %dma_wait3A_258 = tpu.memref_slice %arg9[%dma_wait3A_256, %dma_wait3A_257] : memref<200x128xf32, #tpu.memory_space<vmem>> -> memref<40x128xf32, #tpu.memory_space<vmem>>
      %dma_wait3A_259 = arith.constant 0 : i32
      %dma_wait3A_260 = arith.constant 0 : i32
      %dma_wait3A_261 = tpu.memref_slice %arg2[%dma_wait3A_259, %dma_wait3A_260] : memref<10000x128xf32, #tpu.memory_space<hbm>> -> memref<40x128xf32, #tpu.memory_space<hbm>>
      tpu.wait_dma2 semaphore(%arg11 : memref<!tpu.dma_semaphore, #tpu.memory_space<semaphore_mem>>) src(%dma_wait3A_261 : memref<40x128xf32, #tpu.memory_space<hbm>>) dst(%dma_wait3A_258 : memref<40x128xf32, #tpu.memory_space<vmem>>)
      %mul3A_262 = arith.constant 40 : i32
      %mul3A_263 = arith.muli %add3A_237, %mul3A_262 : i32
      %dma_start3A_264 = arith.constant 160 : i32
      %dma_start3A_265 = arith.constant 0 : i32
      %dma_start3A_266 = tpu.memref_slice %arg9[%dma_start3A_264, %dma_start3A_265] : memref<200x128xf32, #tpu.memory_space<vmem>> -> memref<40x128xf32, #tpu.memory_space<vmem>>
      %dma_start3A_267 = tpu.memref_slice %arg8[%mul3A_263] : memref<10000xi32, #tpu.memory_space<vmem>> -> memref<40xi32, #tpu.memory_space<vmem>>
      %dma_start3A_268 = arith.constant 0 : i32
      %dma_start3A_269 = arith.constant 0 : i32
      %dma_start3A_270 = tpu.memref_slice %arg10[%dma_start3A_268, %dma_start3A_269] : memref<10240x128xf32, #tpu.memory_space<vmem_shared>> -> memref<10240x128xf32, #tpu.memory_space<vmem_shared>>
      tpu.enqueue_indirect_dma source(%dma_start3A_266 : memref<40x128xf32, #tpu.memory_space<vmem>>) target(%dma_start3A_270 : memref<10240x128xf32, #tpu.memory_space<vmem_shared>>) offsets(%dma_start3A_267 : memref<40xi32, #tpu.memory_space<vmem>>) semaphore(%arg12 : memref<!tpu.dma_semaphore, #tpu.memory_space<semaphore_mem>>) {add = true}
    }
    %scan3A_55 = arith.constant 50 : i32
    %dma_wait3A = arith.constant 0 : i32
    %dma_wait3A_56 = arith.constant 0 : i32
    %dma_wait3A_57 = tpu.memref_slice %arg9[%dma_wait3A, %dma_wait3A_56] : memref<200x128xf32, #tpu.memory_space<vmem>> -> memref<40x128xf32, #tpu.memory_space<vmem>>
    %dma_wait3A_58 = arith.constant 0 : i32
    %dma_wait3A_59 = arith.constant 0 : i32
    %dma_wait3A_60 = tpu.memref_slice %arg2[%dma_wait3A_58, %dma_wait3A_59] : memref<10000x128xf32, #tpu.memory_space<hbm>> -> memref<40x128xf32, #tpu.memory_space<hbm>>
    %dma_wait3A_61 = arith.constant 0 : i32
    %dma_wait3A_62 = arith.constant 0 : i32
    %dma_wait3A_63 = tpu.memref_slice %arg9[%dma_wait3A_61, %dma_wait3A_62] : memref<200x128xf32, #tpu.memory_space<vmem>> -> memref<40x128xf32, #tpu.memory_space<vmem>>
    %dma_wait3A_64 = arith.constant 0 : i32
    %dma_wait3A_65 = arith.constant 0 : i32
    %dma_wait3A_66 = tpu.memref_slice %arg2[%dma_wait3A_64, %dma_wait3A_65] : memref<10000x128xf32, #tpu.memory_space<hbm>> -> memref<40x128xf32, #tpu.memory_space<hbm>>
    tpu.wait_dma2 semaphore(%arg12 : memref<!tpu.dma_semaphore, #tpu.memory_space<semaphore_mem>>) src(%dma_wait3A_66 : memref<40x128xf32, #tpu.memory_space<hbm>>) dst(%dma_wait3A_63 : memref<40x128xf32, #tpu.memory_space<vmem>>)
    %dma_wait3A_67 = arith.constant 0 : i32
    %dma_wait3A_68 = arith.constant 0 : i32
    %dma_wait3A_69 = tpu.memref_slice %arg9[%dma_wait3A_67, %dma_wait3A_68] : memref<200x128xf32, #tpu.memory_space<vmem>> -> memref<40x128xf32, #tpu.memory_space<vmem>>
    %dma_wait3A_70 = arith.constant 0 : i32
    %dma_wait3A_71 = arith.constant 0 : i32
    %dma_wait3A_72 = tpu.memref_slice %arg2[%dma_wait3A_70, %dma_wait3A_71] : memref<10000x128xf32, #tpu.memory_space<hbm>> -> memref<40x128xf32, #tpu.memory_space<hbm>>
    %dma_wait3A_73 = arith.constant 0 : i32
    %dma_wait3A_74 = arith.constant 0 : i32
    %dma_wait3A_75 = tpu.memref_slice %arg9[%dma_wait3A_73, %dma_wait3A_74] : memref<200x128xf32, #tpu.memory_space<vmem>> -> memref<40x128xf32, #tpu.memory_space<vmem>>
    %dma_wait3A_76 = arith.constant 0 : i32
    %dma_wait3A_77 = arith.constant 0 : i32
    %dma_wait3A_78 = tpu.memref_slice %arg2[%dma_wait3A_76, %dma_wait3A_77] : memref<10000x128xf32, #tpu.memory_space<hbm>> -> memref<40x128xf32, #tpu.memory_space<hbm>>
    tpu.wait_dma2 semaphore(%arg12 : memref<!tpu.dma_semaphore, #tpu.memory_space<semaphore_mem>>) src(%dma_wait3A_78 : memref<40x128xf32, #tpu.memory_space<hbm>>) dst(%dma_wait3A_75 : memref<40x128xf32, #tpu.memory_space<vmem>>)
    %barrier3A_79 = arith.constant 0 : index
    tpu.barrier barrier_id(%barrier3A_79)
    %eq3A = arith.constant 0 : i32
    %eq3A_80 = arith.cmpi eq, %arg0, %eq3A : i32
    %convert_element_type3A = arith.extui %eq3A_80 : i1 to i32
    %cond3A = arith.constant 0 : i32
    %cond3A_81 = arith.cmpi ne, %convert_element_type3A, %cond3A : i32
    scf.if %cond3A_81 {
      %mul3A_87 = arith.constant 640 : i32
      %mul3A_88 = arith.muli %arg1, %mul3A_87 : i32
      %mul3A_89 = arith.constant 640 : i32
      %mul3A_90 = arith.muli %arg1, %mul3A_89 : i32
      "tpu.region"() ({
        %run_scoped3A = tpu.sem_alloc : memref<!tpu.dma_semaphore, #tpu.memory_space<semaphore_mem>>
        %dma_start3A_91 = arith.constant 0 : i32
        %dma_start3A_92 = tpu.memref_slice %arg5[%mul3A_90, %dma_start3A_91] : memref<10240x128xf32, #tpu.memory_space<hbm>> -> memref<640x128xf32, #tpu.memory_space<hbm>>
        %dma_start3A_93 = arith.constant 0 : i32
        %dma_start3A_94 = tpu.memref_slice %arg10[%mul3A_88, %dma_start3A_93] : memref<10240x128xf32, #tpu.memory_space<vmem_shared>> -> memref<640x128xf32, #tpu.memory_space<vmem_shared>>
        tpu.enqueue_dma source(%dma_start3A_94 : memref<640x128xf32, #tpu.memory_space<vmem_shared>>) target(%dma_start3A_92 : memref<640x128xf32, #tpu.memory_space<hbm>>) target_semaphore(%run_scoped3A : memref<!tpu.dma_semaphore, #tpu.memory_space<semaphore_mem>>)
        %dma_wait3A_95 = arith.constant 0 : i32
        %dma_wait3A_96 = tpu.memref_slice %arg5[%mul3A_90, %dma_wait3A_95] : memref<10240x128xf32, #tpu.memory_space<hbm>> -> memref<640x128xf32, #tpu.memory_space<hbm>>
        %dma_wait3A_97 = arith.constant 0 : i32
        %dma_wait3A_98 = tpu.memref_slice %arg10[%mul3A_88, %dma_wait3A_97] : memref<10240x128xf32, #tpu.memory_space<vmem_shared>> -> memref<640x128xf32, #tpu.memory_space<vmem_shared>>
        tpu.wait_dma2 semaphore(%run_scoped3A : memref<!tpu.dma_semaphore, #tpu.memory_space<semaphore_mem>>) src(%dma_wait3A_98 : memref<640x128xf32, #tpu.memory_space<vmem_shared>>) dst(%dma_wait3A_96 : memref<640x128xf32, #tpu.memory_space<hbm>>)
        tpu.yield
      }) : () -> ()
    } else {
    }
    %eq3A_82 = arith.constant 1 : i32
    %eq3A_83 = arith.cmpi eq, %arg0, %eq3A_82 : i32
    %convert_element_type3A_84 = arith.extui %eq3A_83 : i1 to i32
    %cond3A_85 = arith.constant 0 : i32
    %cond3A_86 = arith.cmpi ne, %convert_element_type3A_84, %cond3A_85 : i32
    scf.if %cond3A_86 {
      %mul3A_87 = arith.constant 640 : i32
      %mul3A_88 = arith.muli %arg1, %mul3A_87 : i32
      %mul3A_89 = arith.constant 640 : i32
      %mul3A_90 = arith.muli %arg1, %mul3A_89 : i32
      "tpu.region"() ({
        %run_scoped3A = tpu.sem_alloc : memref<!tpu.dma_semaphore, #tpu.memory_space<semaphore_mem>>
        %dma_start3A_91 = arith.constant 0 : i32
        %dma_start3A_92 = tpu.memref_slice %arg6[%mul3A_90, %dma_start3A_91] : memref<10240x128xf32, #tpu.memory_space<hbm>> -> memref<640x128xf32, #tpu.memory_space<hbm>>
        %dma_start3A_93 = arith.constant 0 : i32
        %dma_start3A_94 = tpu.memref_slice %arg10[%mul3A_88, %dma_start3A_93] : memref<10240x128xf32, #tpu.memory_space<vmem_shared>> -> memref<640x128xf32, #tpu.memory_space<vmem_shared>>
        tpu.enqueue_dma source(%dma_start3A_94 : memref<640x128xf32, #tpu.memory_space<vmem_shared>>) target(%dma_start3A_92 : memref<640x128xf32, #tpu.memory_space<hbm>>) target_semaphore(%run_scoped3A : memref<!tpu.dma_semaphore, #tpu.memory_space<semaphore_mem>>)
        %dma_wait3A_95 = arith.constant 0 : i32
        %dma_wait3A_96 = tpu.memref_slice %arg6[%mul3A_90, %dma_wait3A_95] : memref<10240x128xf32, #tpu.memory_space<hbm>> -> memref<640x128xf32, #tpu.memory_space<hbm>>
        %dma_wait3A_97 = arith.constant 0 : i32
        %dma_wait3A_98 = tpu.memref_slice %arg10[%mul3A_88, %dma_wait3A_97] : memref<10240x128xf32, #tpu.memory_space<vmem_shared>> -> memref<640x128xf32, #tpu.memory_space<vmem_shared>>
        tpu.wait_dma2 semaphore(%run_scoped3A : memref<!tpu.dma_semaphore, #tpu.memory_space<semaphore_mem>>) src(%dma_wait3A_98 : memref<640x128xf32, #tpu.memory_space<vmem_shared>>) dst(%dma_wait3A_96 : memref<640x128xf32, #tpu.memory_space<hbm>>)
        tpu.yield
      }) : () -> ()
    } else {
    }
    return
  }
}

#map = affine_map<(d0, d1) -> (0, 0)>
#map1 = affine_map<(d0, d1) -> (0)>
module attributes {stable_mosaic.version = 14 : i64} {
  func.func @agg(%arg0: i32, %arg1: i32, %arg2: memref<10000x128xf32, #tpu.memory_space<hbm>>, %arg3: memref<320000xi32, #tpu.memory_space<hbm>>, %arg4: memref<320000xi32, #tpu.memory_space<hbm>>, %arg5: memref<10240x128xf32, #tpu.memory_space<hbm>>, %arg6: memref<10240x128xf32, #tpu.memory_space<hbm>>, %arg7: memref<10000xi32, #tpu.memory_space<vmem>>, %arg8: memref<10000xi32, #tpu.memory_space<vmem>>, %arg9: memref<200x128xf32, #tpu.memory_space<vmem>>, %arg10: memref<10240x128xf32, #tpu.memory_space<vmem_shared>>, %arg11: memref<!tpu.dma_semaphore, #tpu.memory_space<semaphore_mem>>, %arg12: memref<!tpu.dma_semaphore, #tpu.memory_space<semaphore_mem>>) attributes {dimension_semantics = [#tpu.dimension_semantics<core_parallel>, #tpu.dimension_semantics<subcore_parallel>], iteration_bounds = array<i64: 2, 16>, scalar_prefetch = 0 : i64, scratch_operands = 6 : i64, tpu.core_type = #tpu.core_type<sc_vector_subcore>, window_params = [{transform_indices = #map}, {transform_indices = #map1}, {transform_indices = #map1}, {transform_indices = #map}, {transform_indices = #map}]} {
    %mul3A = arith.constant 16 : i32
    %mul3A_0 = arith.muli %arg0, %mul3A : i32
    %add3A = arith.addi %mul3A_0, %arg1 : i32
    %mul3A_1 = arith.constant 10000 : i32
    %mul3A_2 = arith.muli %add3A, %mul3A_1 : i32
    "tpu.region"() ({
      %run_scoped3A = tpu.sem_alloc : memref<!tpu.dma_semaphore, #tpu.memory_space<semaphore_mem>>
      %dma_start3A_87 = tpu.memref_slice %arg3[%mul3A_2] : memref<320000xi32, #tpu.memory_space<hbm>> -> memref<10000xi32, #tpu.memory_space<hbm>>
      %dma_start3A_88 = tpu.memref_slice %arg3[%mul3A_2] : memref<320000xi32, #tpu.memory_space<hbm>> -> memref<10000xi32, #tpu.memory_space<hbm>>
      tpu.enqueue_dma source(%dma_start3A_88 : memref<10000xi32, #tpu.memory_space<hbm>>) target(%arg7 : memref<10000xi32, #tpu.memory_space<vmem>>) target_semaphore(%run_scoped3A : memref<!tpu.dma_semaphore, #tpu.memory_space<semaphore_mem>>)
      %dma_wait3A_89 = tpu.memref_slice %arg3[%mul3A_2] : memref<320000xi32, #tpu.memory_space<hbm>> -> memref<10000xi32, #tpu.memory_space<hbm>>
      %dma_wait3A_90 = tpu.memref_slice %arg3[%mul3A_2] : memref<320000xi32, #tpu.memory_space<hbm>> -> memref<10000xi32, #tpu.memory_space<hbm>>
      tpu.wait_dma2 semaphore(%run_scoped3A : memref<!tpu.dma_semaphore, #tpu.memory_space<semaphore_mem>>) src(%dma_wait3A_90 : memref<10000xi32, #tpu.memory_space<hbm>>) dst(%arg7 : memref<10000xi32, #tpu.memory_space<vmem>>)
      tpu.yield
    }) : () -> ()
    %mul3A_3 = arith.constant 10000 : i32
    %mul3A_4 = arith.muli %add3A, %mul3A_3 : i32
    "tpu.region"() ({
      %run_scoped3A = tpu.sem_alloc : memref<!tpu.dma_semaphore, #tpu.memory_space<semaphore_mem>>
      %dma_start3A_87 = tpu.memref_slice %arg4[%mul3A_4] : memref<320000xi32, #tpu.memory_space<hbm>> -> memref<10000xi32, #tpu.memory_space<hbm>>
      %dma_start3A_88 = tpu.memref_slice %arg4[%mul3A_4] : memref<320000xi32, #tpu.memory_space<hbm>> -> memref<10000xi32, #tpu.memory_space<hbm>>
      tpu.enqueue_dma source(%dma_start3A_88 : memref<10000xi32, #tpu.memory_space<hbm>>) target(%arg8 : memref<10000xi32, #tpu.memory_space<vmem>>) target_semaphore(%run_scoped3A : memref<!tpu.dma_semaphore, #tpu.memory_space<semaphore_mem>>)
      %dma_wait3A_89 = tpu.memref_slice %arg4[%mul3A_4] : memref<320000xi32, #tpu.memory_space<hbm>> -> memref<10000xi32, #tpu.memory_space<hbm>>
      %dma_wait3A_90 = tpu.memref_slice %arg4[%mul3A_4] : memref<320000xi32, #tpu.memory_space<hbm>> -> memref<10000xi32, #tpu.memory_space<hbm>>
      tpu.wait_dma2 semaphore(%run_scoped3A : memref<!tpu.dma_semaphore, #tpu.memory_space<semaphore_mem>>) src(%dma_wait3A_90 : memref<10000xi32, #tpu.memory_space<hbm>>) dst(%arg8 : memref<10000xi32, #tpu.memory_space<vmem>>)
      tpu.yield
    }) : () -> ()
    %broadcast_in_dim3A = arith.constant 0.000000e+00 : f32
    %broadcast_in_dim3A_5 = vector.broadcast %broadcast_in_dim3A : f32 to vector<16xf32>
    %scan3A = arith.constant 0 : i32
    %scan3A_6 = arith.constant 0 : i32
    %scan3A_7 = arith.constant 160 : i32
    %scan3A_8 = arith.addi %scan3A_6, %scan3A_7 : i32
    %scan3A_9 = arith.constant 1 : i32
    scf.for %scan3A_87 = %scan3A_6 to %scan3A_8 step %scan3A_9  : i32 {
      %swap3A = arith.index_cast %scan3A_87 : i32 to index
      %swap3A_88 = arith.constant 0 : index
      %swap3A_89 = tpu.vector_load %arg9[%swap3A, %swap3A_88] {strides = array<i32>} : memref<200x128xf32, #tpu.memory_space<vmem>>, vector<1x16xf32>,
      %swap3A_90 = vector.shape_cast %swap3A_89 : vector<1x16xf32> to vector<16xf32>
      %swap3A_91 = vector.shape_cast %broadcast_in_dim3A_5 : vector<16xf32> to vector<1x16xf32>
      tpu.vector_store %arg9[%swap3A, %swap3A_88], %swap3A_91 {strides = array<i32>} : memref<200x128xf32, #tpu.memory_space<vmem>>, vector<1x16xf32>,
      %swap3A_92 = arith.index_cast %scan3A_87 : i32 to index
      %swap3A_93 = arith.constant 16 : index
      %swap3A_94 = tpu.vector_load %arg9[%swap3A_92, %swap3A_93] {strides = array<i32>} : memref<200x128xf32, #tpu.memory_space<vmem>>, vector<1x16xf32>,
      %swap3A_95 = vector.shape_cast %swap3A_94 : vector<1x16xf32> to vector<16xf32>
      %swap3A_96 = vector.shape_cast %broadcast_in_dim3A_5 : vector<16xf32> to vector<1x16xf32>
      tpu.vector_store %arg9[%swap3A_92, %swap3A_93], %swap3A_96 {strides = array<i32>} : memref<200x128xf32, #tpu.memory_space<vmem>>, vector<1x16xf32>,
      %swap3A_97 = arith.index_cast %scan3A_87 : i32 to index
      %swap3A_98 = arith.constant 32 : index
      %swap3A_99 = tpu.vector_load %arg9[%swap3A_97, %swap3A_98] {strides = array<i32>} : memref<200x128xf32, #tpu.memory_space<vmem>>, vector<1x16xf32>,
      %swap3A_100 = vector.shape_cast %swap3A_99 : vector<1x16xf32> to vector<16xf32>
      %swap3A_101 = vector.shape_cast %broadcast_in_dim3A_5 : vector<16xf32> to vector<1x16xf32>
      tpu.vector_store %arg9[%swap3A_97, %swap3A_98], %swap3A_101 {strides = array<i32>} : memref<200x128xf32, #tpu.memory_space<vmem>>, vector<1x16xf32>,
      %swap3A_102 = arith.index_cast %scan3A_87 : i32 to index
      %swap3A_103 = arith.constant 48 : index
      %swap3A_104 = tpu.vector_load %arg9[%swap3A_102, %swap3A_103] {strides = array<i32>} : memref<200x128xf32, #tpu.memory_space<vmem>>, vector<1x16xf32>,
      %swap3A_105 = vector.shape_cast %swap3A_104 : vector<1x16xf32> to vector<16xf32>
      %swap3A_106 = vector.shape_cast %broadcast_in_dim3A_5 : vector<16xf32> to vector<1x16xf32>
      tpu.vector_store %arg9[%swap3A_102, %swap3A_103], %swap3A_106 {strides = array<i32>} : memref<200x128xf32, #tpu.memory_space<vmem>>, vector<1x16xf32>,
      %swap3A_107 = arith.index_cast %scan3A_87 : i32 to index
      %swap3A_108 = arith.constant 64 : index
      %swap3A_109 = tpu.vector_load %arg9[%swap3A_107, %swap3A_108] {strides = array<i32>} : memref<200x128xf32, #tpu.memory_space<vmem>>, vector<1x16xf32>,
      %swap3A_110 = vector.shape_cast %swap3A_109 : vector<1x16xf32> to vector<16xf32>
      %swap3A_111 = vector.shape_cast %broadcast_in_dim3A_5 : vector<16xf32> to vector<1x16xf32>
      tpu.vector_store %arg9[%swap3A_107, %swap3A_108], %swap3A_111 {strides = array<i32>} : memref<200x128xf32, #tpu.memory_space<vmem>>, vector<1x16xf32>,
      %swap3A_112 = arith.index_cast %scan3A_87 : i32 to index
      %swap3A_113 = arith.constant 80 : index
      %swap3A_114 = tpu.vector_load %arg9[%swap3A_112, %swap3A_113] {strides = array<i32>} : memref<200x128xf32, #tpu.memory_space<vmem>>, vector<1x16xf32>,
      %swap3A_115 = vector.shape_cast %swap3A_114 : vector<1x16xf32> to vector<16xf32>
      %swap3A_116 = vector.shape_cast %broadcast_in_dim3A_5 : vector<16xf32> to vector<1x16xf32>
      tpu.vector_store %arg9[%swap3A_112, %swap3A_113], %swap3A_116 {strides = array<i32>} : memref<200x128xf32, #tpu.memory_space<vmem>>, vector<1x16xf32>,
      %swap3A_117 = arith.index_cast %scan3A_87 : i32 to index
      %swap3A_118 = arith.constant 96 : index
      %swap3A_119 = tpu.vector_load %arg9[%swap3A_117, %swap3A_118] {strides = array<i32>} : memref<200x128xf32, #tpu.memory_space<vmem>>, vector<1x16xf32>,
      %swap3A_120 = vector.shape_cast %swap3A_119 : vector<1x16xf32> to vector<16xf32>
      %swap3A_121 = vector.shape_cast %broadcast_in_dim3A_5 : vector<16xf32> to vector<1x16xf32>
      tpu.vector_store %arg9[%swap3A_117, %swap3A_118], %swap3A_121 {strides = array<i32>} : memref<200x128xf32, #tpu.memory_space<vmem>>, vector<1x16xf32>,
      %swap3A_122 = arith.index_cast %scan3A_87 : i32 to index
      %swap3A_123 = arith.constant 112 : index
      %swap3A_124 = tpu.vector_load %arg9[%swap3A_122, %swap3A_123] {strides = array<i32>} : memref<200x128xf32, #tpu.memory_space<vmem>>, vector<1x16xf32>,
      %swap3A_125 = vector.shape_cast %swap3A_124 : vector<1x16xf32> to vector<16xf32>
      %swap3A_126 = vector.shape_cast %broadcast_in_dim3A_5 : vector<16xf32> to vector<1x16xf32>
      tpu.vector_store %arg9[%swap3A_122, %swap3A_123], %swap3A_126 {strides = array<i32>} : memref<200x128xf32, #tpu.memory_space<vmem>>, vector<1x16xf32>,
    }
    %scan3A_10 = arith.constant 160 : i32
    %mul3A_11 = arith.constant 640 : i32
    %mul3A_12 = arith.muli %arg1, %mul3A_11 : i32
    %add3A_13 = arith.constant 0 : i32
    %add3A_14 = arith.addi %mul3A_12, %add3A_13 : i32
    "tpu.region"() ({
      %run_scoped3A = tpu.sem_alloc : memref<!tpu.dma_semaphore, #tpu.memory_space<semaphore_mem>>
      %dma_start3A_87 = arith.constant 0 : i32
      %dma_start3A_88 = arith.constant 0 : i32
      %dma_start3A_89 = tpu.memref_slice %arg9[%dma_start3A_87, %dma_start3A_88] : memref<200x128xf32, #tpu.memory_space<vmem>> -> memref<160x128xf32, #tpu.memory_space<vmem>>
      %dma_start3A_90 = arith.constant 0 : i32
      %dma_start3A_91 = tpu.memref_slice %arg10[%add3A_14, %dma_start3A_90] : memref<10240x128xf32, #tpu.memory_space<vmem_shared>> -> memref<160x128xf32, #tpu.memory_space<vmem_shared>>
      %dma_start3A_92 = arith.constant 0 : i32
      %dma_start3A_93 = tpu.memref_slice %arg10[%add3A_14, %dma_start3A_92] : memref<10240x128xf32, #tpu.memory_space<vmem_shared>> -> memref<160x128xf32, #tpu.memory_space<vmem_shared>>
      %dma_start3A_94 = arith.constant 0 : i32
      %dma_start3A_95 = arith.constant 0 : i32
      %dma_start3A_96 = tpu.memref_slice %arg9[%dma_start3A_94, %dma_start3A_95] : memref<200x128xf32, #tpu.memory_space<vmem>> -> memref<160x128xf32, #tpu.memory_space<vmem>>
      tpu.enqueue_dma source(%dma_start3A_96 : memref<160x128xf32, #tpu.memory_space<vmem>>) target(%dma_start3A_93 : memref<160x128xf32, #tpu.memory_space<vmem_shared>>) target_semaphore(%run_scoped3A : memref<!tpu.dma_semaphore, #tpu.memory_space<semaphore_mem>>)
      %dma_wait3A_97 = arith.constant 0 : i32
      %dma_wait3A_98 = arith.constant 0 : i32
      %dma_wait3A_99 = tpu.memref_slice %arg9[%dma_wait3A_97, %dma_wait3A_98] : memref<200x128xf32, #tpu.memory_space<vmem>> -> memref<160x128xf32, #tpu.memory_space<vmem>>
      %dma_wait3A_100 = arith.constant 0 : i32
      %dma_wait3A_101 = tpu.memref_slice %arg10[%add3A_14, %dma_wait3A_100] : memref<10240x128xf32, #tpu.memory_space<vmem_shared>> -> memref<160x128xf32, #tpu.memory_space<vmem_shared>>
      %dma_wait3A_102 = arith.constant 0 : i32
      %dma_wait3A_103 = tpu.memref_slice %arg10[%add3A_14, %dma_wait3A_102] : memref<10240x128xf32, #tpu.memory_space<vmem_shared>> -> memref<160x128xf32, #tpu.memory_space<vmem_shared>>
      %dma_wait3A_104 = arith.constant 0 : i32
      %dma_wait3A_105 = arith.constant 0 : i32
      %dma_wait3A_106 = tpu.memref_slice %arg9[%dma_wait3A_104, %dma_wait3A_105] : memref<200x128xf32, #tpu.memory_space<vmem>> -> memref<160x128xf32, #tpu.memory_space<vmem>>
      tpu.wait_dma2 semaphore(%run_scoped3A : memref<!tpu.dma_semaphore, #tpu.memory_space<semaphore_mem>>) src(%dma_wait3A_106 : memref<160x128xf32, #tpu.memory_space<vmem>>) dst(%dma_wait3A_103 : memref<160x128xf32, #tpu.memory_space<vmem_shared>>)
      tpu.yield
    }) : () -> ()
    %mul3A_15 = arith.constant 640 : i32
    %mul3A_16 = arith.muli %arg1, %mul3A_15 : i32
    %add3A_17 = arith.constant 160 : i32
    %add3A_18 = arith.addi %mul3A_16, %add3A_17 : i32
    "tpu.region"() ({
      %run_scoped3A = tpu.sem_alloc : memref<!tpu.dma_semaphore, #tpu.memory_space<semaphore_mem>>
      %dma_start3A_87 = arith.constant 0 : i32
      %dma_start3A_88 = arith.constant 0 : i32
      %dma_start3A_89 = tpu.memref_slice %arg9[%dma_start3A_87, %dma_start3A_88] : memref<200x128xf32, #tpu.memory_space<vmem>> -> memref<160x128xf32, #tpu.memory_space<vmem>>
      %dma_start3A_90 = arith.constant 0 : i32
      %dma_start3A_91 = tpu.memref_slice %arg10[%add3A_18, %dma_start3A_90] : memref<10240x128xf32, #tpu.memory_space<vmem_shared>> -> memref<160x128xf32, #tpu.memory_space<vmem_shared>>
      %dma_start3A_92 = arith.constant 0 : i32
      %dma_start3A_93 = tpu.memref_slice %arg10[%add3A_18, %dma_start3A_92] : memref<10240x128xf32, #tpu.memory_space<vmem_shared>> -> memref<160x128xf32, #tpu.memory_space<vmem_shared>>
      %dma_start3A_94 = arith.constant 0 : i32
      %dma_start3A_95 = arith.constant 0 : i32
      %dma_start3A_96 = tpu.memref_slice %arg9[%dma_start3A_94, %dma_start3A_95] : memref<200x128xf32, #tpu.memory_space<vmem>> -> memref<160x128xf32, #tpu.memory_space<vmem>>
      tpu.enqueue_dma source(%dma_start3A_96 : memref<160x128xf32, #tpu.memory_space<vmem>>) target(%dma_start3A_93 : memref<160x128xf32, #tpu.memory_space<vmem_shared>>) target_semaphore(%run_scoped3A : memref<!tpu.dma_semaphore, #tpu.memory_space<semaphore_mem>>)
      %dma_wait3A_97 = arith.constant 0 : i32
      %dma_wait3A_98 = arith.constant 0 : i32
      %dma_wait3A_99 = tpu.memref_slice %arg9[%dma_wait3A_97, %dma_wait3A_98] : memref<200x128xf32, #tpu.memory_space<vmem>> -> memref<160x128xf32, #tpu.memory_space<vmem>>
      %dma_wait3A_100 = arith.constant 0 : i32
      %dma_wait3A_101 = tpu.memref_slice %arg10[%add3A_18, %dma_wait3A_100] : memref<10240x128xf32, #tpu.memory_space<vmem_shared>> -> memref<160x128xf32, #tpu.memory_space<vmem_shared>>
      %dma_wait3A_102 = arith.constant 0 : i32
      %dma_wait3A_103 = tpu.memref_slice %arg10[%add3A_18, %dma_wait3A_102] : memref<10240x128xf32, #tpu.memory_space<vmem_shared>> -> memref<160x128xf32, #tpu.memory_space<vmem_shared>>
      %dma_wait3A_104 = arith.constant 0 : i32
      %dma_wait3A_105 = arith.constant 0 : i32
      %dma_wait3A_106 = tpu.memref_slice %arg9[%dma_wait3A_104, %dma_wait3A_105] : memref<200x128xf32, #tpu.memory_space<vmem>> -> memref<160x128xf32, #tpu.memory_space<vmem>>
      tpu.wait_dma2 semaphore(%run_scoped3A : memref<!tpu.dma_semaphore, #tpu.memory_space<semaphore_mem>>) src(%dma_wait3A_106 : memref<160x128xf32, #tpu.memory_space<vmem>>) dst(%dma_wait3A_103 : memref<160x128xf32, #tpu.memory_space<vmem_shared>>)
      tpu.yield
    }) : () -> ()
    %mul3A_19 = arith.constant 640 : i32
    %mul3A_20 = arith.muli %arg1, %mul3A_19 : i32
    %add3A_21 = arith.constant 320 : i32
    %add3A_22 = arith.addi %mul3A_20, %add3A_21 : i32
    "tpu.region"() ({
      %run_scoped3A = tpu.sem_alloc : memref<!tpu.dma_semaphore, #tpu.memory_space<semaphore_mem>>
      %dma_start3A_87 = arith.constant 0 : i32
      %dma_start3A_88 = arith.constant 0 : i32
      %dma_start3A_89 = tpu.memref_slice %arg9[%dma_start3A_87, %dma_start3A_88] : memref<200x128xf32, #tpu.memory_space<vmem>> -> memref<160x128xf32, #tpu.memory_space<vmem>>
      %dma_start3A_90 = arith.constant 0 : i32
      %dma_start3A_91 = tpu.memref_slice %arg10[%add3A_22, %dma_start3A_90] : memref<10240x128xf32, #tpu.memory_space<vmem_shared>> -> memref<160x128xf32, #tpu.memory_space<vmem_shared>>
      %dma_start3A_92 = arith.constant 0 : i32
      %dma_start3A_93 = tpu.memref_slice %arg10[%add3A_22, %dma_start3A_92] : memref<10240x128xf32, #tpu.memory_space<vmem_shared>> -> memref<160x128xf32, #tpu.memory_space<vmem_shared>>
      %dma_start3A_94 = arith.constant 0 : i32
      %dma_start3A_95 = arith.constant 0 : i32
      %dma_start3A_96 = tpu.memref_slice %arg9[%dma_start3A_94, %dma_start3A_95] : memref<200x128xf32, #tpu.memory_space<vmem>> -> memref<160x128xf32, #tpu.memory_space<vmem>>
      tpu.enqueue_dma source(%dma_start3A_96 : memref<160x128xf32, #tpu.memory_space<vmem>>) target(%dma_start3A_93 : memref<160x128xf32, #tpu.memory_space<vmem_shared>>) target_semaphore(%run_scoped3A : memref<!tpu.dma_semaphore, #tpu.memory_space<semaphore_mem>>)
      %dma_wait3A_97 = arith.constant 0 : i32
      %dma_wait3A_98 = arith.constant 0 : i32
      %dma_wait3A_99 = tpu.memref_slice %arg9[%dma_wait3A_97, %dma_wait3A_98] : memref<200x128xf32, #tpu.memory_space<vmem>> -> memref<160x128xf32, #tpu.memory_space<vmem>>
      %dma_wait3A_100 = arith.constant 0 : i32
      %dma_wait3A_101 = tpu.memref_slice %arg10[%add3A_22, %dma_wait3A_100] : memref<10240x128xf32, #tpu.memory_space<vmem_shared>> -> memref<160x128xf32, #tpu.memory_space<vmem_shared>>
      %dma_wait3A_102 = arith.constant 0 : i32
      %dma_wait3A_103 = tpu.memref_slice %arg10[%add3A_22, %dma_wait3A_102] : memref<10240x128xf32, #tpu.memory_space<vmem_shared>> -> memref<160x128xf32, #tpu.memory_space<vmem_shared>>
      %dma_wait3A_104 = arith.constant 0 : i32
      %dma_wait3A_105 = arith.constant 0 : i32
      %dma_wait3A_106 = tpu.memref_slice %arg9[%dma_wait3A_104, %dma_wait3A_105] : memref<200x128xf32, #tpu.memory_space<vmem>> -> memref<160x128xf32, #tpu.memory_space<vmem>>
      tpu.wait_dma2 semaphore(%run_scoped3A : memref<!tpu.dma_semaphore, #tpu.memory_space<semaphore_mem>>) src(%dma_wait3A_106 : memref<160x128xf32, #tpu.memory_space<vmem>>) dst(%dma_wait3A_103 : memref<160x128xf32, #tpu.memory_space<vmem_shared>>)
      tpu.yield
    }) : () -> ()
    %mul3A_23 = arith.constant 640 : i32
    %mul3A_24 = arith.muli %arg1, %mul3A_23 : i32
    %add3A_25 = arith.constant 480 : i32
    %add3A_26 = arith.addi %mul3A_24, %add3A_25 : i32
    "tpu.region"() ({
      %run_scoped3A = tpu.sem_alloc : memref<!tpu.dma_semaphore, #tpu.memory_space<semaphore_mem>>
      %dma_start3A_87 = arith.constant 0 : i32
      %dma_start3A_88 = arith.constant 0 : i32
      %dma_start3A_89 = tpu.memref_slice %arg9[%dma_start3A_87, %dma_start3A_88] : memref<200x128xf32, #tpu.memory_space<vmem>> -> memref<160x128xf32, #tpu.memory_space<vmem>>
      %dma_start3A_90 = arith.constant 0 : i32
      %dma_start3A_91 = tpu.memref_slice %arg10[%add3A_26, %dma_start3A_90] : memref<10240x128xf32, #tpu.memory_space<vmem_shared>> -> memref<160x128xf32, #tpu.memory_space<vmem_shared>>
      %dma_start3A_92 = arith.constant 0 : i32
      %dma_start3A_93 = tpu.memref_slice %arg10[%add3A_26, %dma_start3A_92] : memref<10240x128xf32, #tpu.memory_space<vmem_shared>> -> memref<160x128xf32, #tpu.memory_space<vmem_shared>>
      %dma_start3A_94 = arith.constant 0 : i32
      %dma_start3A_95 = arith.constant 0 : i32
      %dma_start3A_96 = tpu.memref_slice %arg9[%dma_start3A_94, %dma_start3A_95] : memref<200x128xf32, #tpu.memory_space<vmem>> -> memref<160x128xf32, #tpu.memory_space<vmem>>
      tpu.enqueue_dma source(%dma_start3A_96 : memref<160x128xf32, #tpu.memory_space<vmem>>) target(%dma_start3A_93 : memref<160x128xf32, #tpu.memory_space<vmem_shared>>) target_semaphore(%run_scoped3A : memref<!tpu.dma_semaphore, #tpu.memory_space<semaphore_mem>>)
      %dma_wait3A_97 = arith.constant 0 : i32
      %dma_wait3A_98 = arith.constant 0 : i32
      %dma_wait3A_99 = tpu.memref_slice %arg9[%dma_wait3A_97, %dma_wait3A_98] : memref<200x128xf32, #tpu.memory_space<vmem>> -> memref<160x128xf32, #tpu.memory_space<vmem>>
      %dma_wait3A_100 = arith.constant 0 : i32
      %dma_wait3A_101 = tpu.memref_slice %arg10[%add3A_26, %dma_wait3A_100] : memref<10240x128xf32, #tpu.memory_space<vmem_shared>> -> memref<160x128xf32, #tpu.memory_space<vmem_shared>>
      %dma_wait3A_102 = arith.constant 0 : i32
      %dma_wait3A_103 = tpu.memref_slice %arg10[%add3A_26, %dma_wait3A_102] : memref<10240x128xf32, #tpu.memory_space<vmem_shared>> -> memref<160x128xf32, #tpu.memory_space<vmem_shared>>
      %dma_wait3A_104 = arith.constant 0 : i32
      %dma_wait3A_105 = arith.constant 0 : i32
      %dma_wait3A_106 = tpu.memref_slice %arg9[%dma_wait3A_104, %dma_wait3A_105] : memref<200x128xf32, #tpu.memory_space<vmem>> -> memref<160x128xf32, #tpu.memory_space<vmem>>
      tpu.wait_dma2 semaphore(%run_scoped3A : memref<!tpu.dma_semaphore, #tpu.memory_space<semaphore_mem>>) src(%dma_wait3A_106 : memref<160x128xf32, #tpu.memory_space<vmem>>) dst(%dma_wait3A_103 : memref<160x128xf32, #tpu.memory_space<vmem_shared>>)
      tpu.yield
    }) : () -> ()
    %barrier3A = arith.constant 0 : index
    tpu.barrier barrier_id(%barrier3A)
    %dma_start3A = arith.constant 0 : i32
    %dma_start3A_27 = arith.constant 0 : i32
    %dma_start3A_28 = tpu.memref_slice %arg9[%dma_start3A, %dma_start3A_27] : memref<200x128xf32, #tpu.memory_space<vmem>> -> memref<40x128xf32, #tpu.memory_space<vmem>>
    %dma_start3A_29 = arith.constant 0 : i32
    %dma_start3A_30 = tpu.memref_slice %arg7[%dma_start3A_29] : memref<10000xi32, #tpu.memory_space<vmem>> -> memref<40xi32, #tpu.memory_space<vmem>>
    %dma_start3A_31 = arith.constant 0 : i32
    %dma_start3A_32 = arith.constant 0 : i32
    %dma_start3A_33 = tpu.memref_slice %arg2[%dma_start3A_31, %dma_start3A_32] : memref<10000x128xf32, #tpu.memory_space<hbm>> -> memref<10000x128xf32, #tpu.memory_space<hbm>>
    tpu.enqueue_indirect_dma source(%dma_start3A_33 : memref<10000x128xf32, #tpu.memory_space<hbm>>) target(%dma_start3A_28 : memref<40x128xf32, #tpu.memory_space<vmem>>) offsets(%dma_start3A_30 : memref<40xi32, #tpu.memory_space<vmem>>) semaphore(%arg11 : memref<!tpu.dma_semaphore, #tpu.memory_space<semaphore_mem>>)
    %dma_start3A_34 = arith.constant 40 : i32
    %dma_start3A_35 = arith.constant 0 : i32
    %dma_start3A_36 = tpu.memref_slice %arg9[%dma_start3A_34, %dma_start3A_35] : memref<200x128xf32, #tpu.memory_space<vmem>> -> memref<40x128xf32, #tpu.memory_space<vmem>>
    %dma_start3A_37 = arith.constant 40 : i32
    %dma_start3A_38 = tpu.memref_slice %arg7[%dma_start3A_37] : memref<10000xi32, #tpu.memory_space<vmem>> -> memref<40xi32, #tpu.memory_space<vmem>>
    %dma_start3A_39 = arith.constant 0 : i32
    %dma_start3A_40 = arith.constant 0 : i32
    %dma_start3A_41 = tpu.memref_slice %arg2[%dma_start3A_39, %dma_start3A_40] : memref<10000x128xf32, #tpu.memory_space<hbm>> -> memref<10000x128xf32, #tpu.memory_space<hbm>>
    tpu.enqueue_indirect_dma source(%dma_start3A_41 : memref<10000x128xf32, #tpu.memory_space<hbm>>) target(%dma_start3A_36 : memref<40x128xf32, #tpu.memory_space<vmem>>) offsets(%dma_start3A_38 : memref<40xi32, #tpu.memory_space<vmem>>) semaphore(%arg11 : memref<!tpu.dma_semaphore, #tpu.memory_space<semaphore_mem>>)
    %dma_start3A_42 = arith.constant 80 : i32
    %dma_start3A_43 = arith.constant 0 : i32
    %dma_start3A_44 = tpu.memref_slice %arg9[%dma_start3A_42, %dma_start3A_43] : memref<200x128xf32, #tpu.memory_space<vmem>> -> memref<40x128xf32, #tpu.memory_space<vmem>>
    %dma_start3A_45 = arith.constant 80 : i32
    %dma_start3A_46 = tpu.memref_slice %arg7[%dma_start3A_45] : memref<10000xi32, #tpu.memory_space<vmem>> -> memref<40xi32, #tpu.memory_space<vmem>>
    %dma_start3A_47 = arith.constant 0 : i32
    %dma_start3A_48 = arith.constant 0 : i32
    %dma_start3A_49 = tpu.memref_slice %arg2[%dma_start3A_47, %dma_start3A_48] : memref<10000x128xf32, #tpu.memory_space<hbm>> -> memref<10000x128xf32, #tpu.memory_space<hbm>>
    tpu.enqueue_indirect_dma source(%dma_start3A_49 : memref<10000x128xf32, #tpu.memory_space<hbm>>) target(%dma_start3A_44 : memref<40x128xf32, #tpu.memory_space<vmem>>) offsets(%dma_start3A_46 : memref<40xi32, #tpu.memory_space<vmem>>) semaphore(%arg11 : memref<!tpu.dma_semaphore, #tpu.memory_space<semaphore_mem>>)
    %scan3A_50 = arith.constant 0 : i32
    %scan3A_51 = arith.constant 0 : i32
    %scan3A_52 = arith.constant 50 : i32
    %scan3A_53 = arith.addi %scan3A_51, %scan3A_52 : i32
    %scan3A_54 = arith.constant 1 : i32
    scf.for %scan3A_87 = %scan3A_51 to %scan3A_53 step %scan3A_54  : i32 {
      %mul3A_88 = arith.constant 5 : i32
      %mul3A_89 = arith.muli %scan3A_87, %mul3A_88 : i32
      %add3A_90 = arith.constant 0 : i32
      %add3A_91 = arith.addi %mul3A_89, %add3A_90 : i32
      %ge3A = arith.constant 2 : i32
      %ge3A_92 = arith.cmpi sge, %add3A_91, %ge3A : i32
      %convert_element_type3A_93 = arith.extui %ge3A_92 : i1 to i32
      %cond3A_94 = arith.constant 0 : i32
      %cond3A_95 = arith.cmpi ne, %convert_element_type3A_93, %cond3A_94 : i32
      scf.if %cond3A_95 {
        %dma_wait3A_271 = arith.constant 0 : i32
        %dma_wait3A_272 = arith.constant 0 : i32
        %dma_wait3A_273 = tpu.memref_slice %arg9[%dma_wait3A_271, %dma_wait3A_272] : memref<200x128xf32, #tpu.memory_space<vmem>> -> memref<40x128xf32, #tpu.memory_space<vmem>>
        %dma_wait3A_274 = arith.constant 0 : i32
        %dma_wait3A_275 = arith.constant 0 : i32
        %dma_wait3A_276 = tpu.memref_slice %arg2[%dma_wait3A_274, %dma_wait3A_275] : memref<10000x128xf32, #tpu.memory_space<hbm>> -> memref<40x128xf32, #tpu.memory_space<hbm>>
        %dma_wait3A_277 = arith.constant 0 : i32
        %dma_wait3A_278 = arith.constant 0 : i32
        %dma_wait3A_279 = tpu.memref_slice %arg9[%dma_wait3A_277, %dma_wait3A_278] : memref<200x128xf32, #tpu.memory_space<vmem>> -> memref<40x128xf32, #tpu.memory_space<vmem>>
        %dma_wait3A_280 = arith.constant 0 : i32
        %dma_wait3A_281 = arith.constant 0 : i32
        %dma_wait3A_282 = tpu.memref_slice %arg2[%dma_wait3A_280, %dma_wait3A_281] : memref<10000x128xf32, #tpu.memory_space<hbm>> -> memref<40x128xf32, #tpu.memory_space<hbm>>
        tpu.wait_dma2 semaphore(%arg12 : memref<!tpu.dma_semaphore, #tpu.memory_space<semaphore_mem>>) src(%dma_wait3A_282 : memref<40x128xf32, #tpu.memory_space<hbm>>) dst(%dma_wait3A_279 : memref<40x128xf32, #tpu.memory_space<vmem>>)
      } else {
      }
      %add3A_96 = arith.constant 3 : i32
      %add3A_97 = arith.addi %add3A_91, %add3A_96 : i32
      %lt3A = arith.constant 250 : i32
      %lt3A_98 = arith.cmpi slt, %add3A_97, %lt3A : i32
      %convert_element_type3A_99 = arith.extui %lt3A_98 : i1 to i32
      %cond3A_100 = arith.constant 0 : i32
      %cond3A_101 = arith.cmpi ne, %convert_element_type3A_99, %cond3A_100 : i32
      scf.if %cond3A_101 {
        %add3A_271 = arith.constant 3 : i32
        %add3A_272 = arith.addi %add3A_91, %add3A_271 : i32
        %mul3A_273 = arith.constant 40 : i32
        %mul3A_274 = arith.muli %add3A_272, %mul3A_273 : i32
        %dma_start3A_275 = arith.constant 120 : i32
        %dma_start3A_276 = arith.constant 0 : i32
        %dma_start3A_277 = tpu.memref_slice %arg9[%dma_start3A_275, %dma_start3A_276] : memref<200x128xf32, #tpu.memory_space<vmem>> -> memref<40x128xf32, #tpu.memory_space<vmem>>
        %dma_start3A_278 = tpu.memref_slice %arg7[%mul3A_274] : memref<10000xi32, #tpu.memory_space<vmem>> -> memref<40xi32, #tpu.memory_space<vmem>>
        %dma_start3A_279 = arith.constant 0 : i32
        %dma_start3A_280 = arith.constant 0 : i32
        %dma_start3A_281 = tpu.memref_slice %arg2[%dma_start3A_279, %dma_start3A_280] : memref<10000x128xf32, #tpu.memory_space<hbm>> -> memref<10000x128xf32, #tpu.memory_space<hbm>>
        tpu.enqueue_indirect_dma source(%dma_start3A_281 : memref<10000x128xf32, #tpu.memory_space<hbm>>) target(%dma_start3A_277 : memref<40x128xf32, #tpu.memory_space<vmem>>) offsets(%dma_start3A_278 : memref<40xi32, #tpu.memory_space<vmem>>) semaphore(%arg11 : memref<!tpu.dma_semaphore, #tpu.memory_space<semaphore_mem>>)
      } else {
      }
      %dma_wait3A_102 = arith.constant 0 : i32
      %dma_wait3A_103 = arith.constant 0 : i32
      %dma_wait3A_104 = tpu.memref_slice %arg9[%dma_wait3A_102, %dma_wait3A_103] : memref<200x128xf32, #tpu.memory_space<vmem>> -> memref<40x128xf32, #tpu.memory_space<vmem>>
      %dma_wait3A_105 = arith.constant 0 : i32
      %dma_wait3A_106 = arith.constant 0 : i32
      %dma_wait3A_107 = tpu.memref_slice %arg2[%dma_wait3A_105, %dma_wait3A_106] : memref<10000x128xf32, #tpu.memory_space<hbm>> -> memref<40x128xf32, #tpu.memory_space<hbm>>
      %dma_wait3A_108 = arith.constant 0 : i32
      %dma_wait3A_109 = arith.constant 0 : i32
      %dma_wait3A_110 = tpu.memref_slice %arg9[%dma_wait3A_108, %dma_wait3A_109] : memref<200x128xf32, #tpu.memory_space<vmem>> -> memref<40x128xf32, #tpu.memory_space<vmem>>
      %dma_wait3A_111 = arith.constant 0 : i32
      %dma_wait3A_112 = arith.constant 0 : i32
      %dma_wait3A_113 = tpu.memref_slice %arg2[%dma_wait3A_111, %dma_wait3A_112] : memref<10000x128xf32, #tpu.memory_space<hbm>> -> memref<40x128xf32, #tpu.memory_space<hbm>>
      tpu.wait_dma2 semaphore(%arg11 : memref<!tpu.dma_semaphore, #tpu.memory_space<semaphore_mem>>) src(%dma_wait3A_113 : memref<40x128xf32, #tpu.memory_space<hbm>>) dst(%dma_wait3A_110 : memref<40x128xf32, #tpu.memory_space<vmem>>)
      %mul3A_114 = arith.constant 40 : i32
      %mul3A_115 = arith.muli %add3A_91, %mul3A_114 : i32
      %dma_start3A_116 = arith.constant 0 : i32
      %dma_start3A_117 = arith.constant 0 : i32
      %dma_start3A_118 = tpu.memref_slice %arg9[%dma_start3A_116, %dma_start3A_117] : memref<200x128xf32, #tpu.memory_space<vmem>> -> memref<40x128xf32, #tpu.memory_space<vmem>>
      %dma_start3A_119 = tpu.memref_slice %arg8[%mul3A_115] : memref<10000xi32, #tpu.memory_space<vmem>> -> memref<40xi32, #tpu.memory_space<vmem>>
      %dma_start3A_120 = arith.constant 0 : i32
      %dma_start3A_121 = arith.constant 0 : i32
      %dma_start3A_122 = tpu.memref_slice %arg10[%dma_start3A_120, %dma_start3A_121] : memref<10240x128xf32, #tpu.memory_space<vmem_shared>> -> memref<10240x128xf32, #tpu.memory_space<vmem_shared>>
      tpu.enqueue_indirect_dma source(%dma_start3A_118 : memref<40x128xf32, #tpu.memory_space<vmem>>) target(%dma_start3A_122 : memref<10240x128xf32, #tpu.memory_space<vmem_shared>>) offsets(%dma_start3A_119 : memref<40xi32, #tpu.memory_space<vmem>>) semaphore(%arg12 : memref<!tpu.dma_semaphore, #tpu.memory_space<semaphore_mem>>) {add = true}
      %mul3A_123 = arith.constant 5 : i32
      %mul3A_124 = arith.muli %scan3A_87, %mul3A_123 : i32
      %add3A_125 = arith.constant 1 : i32
      %add3A_126 = arith.addi %mul3A_124, %add3A_125 : i32
      %ge3A_127 = arith.constant 2 : i32
      %ge3A_128 = arith.cmpi sge, %add3A_126, %ge3A_127 : i32
      %convert_element_type3A_129 = arith.extui %ge3A_128 : i1 to i32
      %cond3A_130 = arith.constant 0 : i32
      %cond3A_131 = arith.cmpi ne, %convert_element_type3A_129, %cond3A_130 : i32
      scf.if %cond3A_131 {
        %dma_wait3A_271 = arith.constant 0 : i32
        %dma_wait3A_272 = arith.constant 0 : i32
        %dma_wait3A_273 = tpu.memref_slice %arg9[%dma_wait3A_271, %dma_wait3A_272] : memref<200x128xf32, #tpu.memory_space<vmem>> -> memref<40x128xf32, #tpu.memory_space<vmem>>
        %dma_wait3A_274 = arith.constant 0 : i32
        %dma_wait3A_275 = arith.constant 0 : i32
        %dma_wait3A_276 = tpu.memref_slice %arg2[%dma_wait3A_274, %dma_wait3A_275] : memref<10000x128xf32, #tpu.memory_space<hbm>> -> memref<40x128xf32, #tpu.memory_space<hbm>>
        %dma_wait3A_277 = arith.constant 0 : i32
        %dma_wait3A_278 = arith.constant 0 : i32
        %dma_wait3A_279 = tpu.memref_slice %arg9[%dma_wait3A_277, %dma_wait3A_278] : memref<200x128xf32, #tpu.memory_space<vmem>> -> memref<40x128xf32, #tpu.memory_space<vmem>>
        %dma_wait3A_280 = arith.constant 0 : i32
        %dma_wait3A_281 = arith.constant 0 : i32
        %dma_wait3A_282 = tpu.memref_slice %arg2[%dma_wait3A_280, %dma_wait3A_281] : memref<10000x128xf32, #tpu.memory_space<hbm>> -> memref<40x128xf32, #tpu.memory_space<hbm>>
        tpu.wait_dma2 semaphore(%arg12 : memref<!tpu.dma_semaphore, #tpu.memory_space<semaphore_mem>>) src(%dma_wait3A_282 : memref<40x128xf32, #tpu.memory_space<hbm>>) dst(%dma_wait3A_279 : memref<40x128xf32, #tpu.memory_space<vmem>>)
      } else {
      }
      %add3A_132 = arith.constant 3 : i32
      %add3A_133 = arith.addi %add3A_126, %add3A_132 : i32
      %lt3A_134 = arith.constant 250 : i32
      %lt3A_135 = arith.cmpi slt, %add3A_133, %lt3A_134 : i32
      %convert_element_type3A_136 = arith.extui %lt3A_135 : i1 to i32
      %cond3A_137 = arith.constant 0 : i32
      %cond3A_138 = arith.cmpi ne, %convert_element_type3A_136, %cond3A_137 : i32
      scf.if %cond3A_138 {
        %add3A_271 = arith.constant 3 : i32
        %add3A_272 = arith.addi %add3A_126, %add3A_271 : i32
        %mul3A_273 = arith.constant 40 : i32
        %mul3A_274 = arith.muli %add3A_272, %mul3A_273 : i32
        %dma_start3A_275 = arith.constant 160 : i32
        %dma_start3A_276 = arith.constant 0 : i32
        %dma_start3A_277 = tpu.memref_slice %arg9[%dma_start3A_275, %dma_start3A_276] : memref<200x128xf32, #tpu.memory_space<vmem>> -> memref<40x128xf32, #tpu.memory_space<vmem>>
        %dma_start3A_278 = tpu.memref_slice %arg7[%mul3A_274] : memref<10000xi32, #tpu.memory_space<vmem>> -> memref<40xi32, #tpu.memory_space<vmem>>
        %dma_start3A_279 = arith.constant 0 : i32
        %dma_start3A_280 = arith.constant 0 : i32
        %dma_start3A_281 = tpu.memref_slice %arg2[%dma_start3A_279, %dma_start3A_280] : memref<10000x128xf32, #tpu.memory_space<hbm>> -> memref<10000x128xf32, #tpu.memory_space<hbm>>
        tpu.enqueue_indirect_dma source(%dma_start3A_281 : memref<10000x128xf32, #tpu.memory_space<hbm>>) target(%dma_start3A_277 : memref<40x128xf32, #tpu.memory_space<vmem>>) offsets(%dma_start3A_278 : memref<40xi32, #tpu.memory_space<vmem>>) semaphore(%arg11 : memref<!tpu.dma_semaphore, #tpu.memory_space<semaphore_mem>>)
      } else {
      }
      %dma_wait3A_139 = arith.constant 0 : i32
      %dma_wait3A_140 = arith.constant 0 : i32
      %dma_wait3A_141 = tpu.memref_slice %arg9[%dma_wait3A_139, %dma_wait3A_140] : memref<200x128xf32, #tpu.memory_space<vmem>> -> memref<40x128xf32, #tpu.memory_space<vmem>>
      %dma_wait3A_142 = arith.constant 0 : i32
      %dma_wait3A_143 = arith.constant 0 : i32
      %dma_wait3A_144 = tpu.memref_slice %arg2[%dma_wait3A_142, %dma_wait3A_143] : memref<10000x128xf32, #tpu.memory_space<hbm>> -> memref<40x128xf32, #tpu.memory_space<hbm>>
      %dma_wait3A_145 = arith.constant 0 : i32
      %dma_wait3A_146 = arith.constant 0 : i32
      %dma_wait3A_147 = tpu.memref_slice %arg9[%dma_wait3A_145, %dma_wait3A_146] : memref<200x128xf32, #tpu.memory_space<vmem>> -> memref<40x128xf32, #tpu.memory_space<vmem>>
      %dma_wait3A_148 = arith.constant 0 : i32
      %dma_wait3A_149 = arith.constant 0 : i32
      %dma_wait3A_150 = tpu.memref_slice %arg2[%dma_wait3A_148, %dma_wait3A_149] : memref<10000x128xf32, #tpu.memory_space<hbm>> -> memref<40x128xf32, #tpu.memory_space<hbm>>
      tpu.wait_dma2 semaphore(%arg11 : memref<!tpu.dma_semaphore, #tpu.memory_space<semaphore_mem>>) src(%dma_wait3A_150 : memref<40x128xf32, #tpu.memory_space<hbm>>) dst(%dma_wait3A_147 : memref<40x128xf32, #tpu.memory_space<vmem>>)
      %mul3A_151 = arith.constant 40 : i32
      %mul3A_152 = arith.muli %add3A_126, %mul3A_151 : i32
      %dma_start3A_153 = arith.constant 40 : i32
      %dma_start3A_154 = arith.constant 0 : i32
      %dma_start3A_155 = tpu.memref_slice %arg9[%dma_start3A_153, %dma_start3A_154] : memref<200x128xf32, #tpu.memory_space<vmem>> -> memref<40x128xf32, #tpu.memory_space<vmem>>
      %dma_start3A_156 = tpu.memref_slice %arg8[%mul3A_152] : memref<10000xi32, #tpu.memory_space<vmem>> -> memref<40xi32, #tpu.memory_space<vmem>>
      %dma_start3A_157 = arith.constant 0 : i32
      %dma_start3A_158 = arith.constant 0 : i32
      %dma_start3A_159 = tpu.memref_slice %arg10[%dma_start3A_157, %dma_start3A_158] : memref<10240x128xf32, #tpu.memory_space<vmem_shared>> -> memref<10240x128xf32, #tpu.memory_space<vmem_shared>>
      tpu.enqueue_indirect_dma source(%dma_start3A_155 : memref<40x128xf32, #tpu.memory_space<vmem>>) target(%dma_start3A_159 : memref<10240x128xf32, #tpu.memory_space<vmem_shared>>) offsets(%dma_start3A_156 : memref<40xi32, #tpu.memory_space<vmem>>) semaphore(%arg12 : memref<!tpu.dma_semaphore, #tpu.memory_space<semaphore_mem>>) {add = true}
      %mul3A_160 = arith.constant 5 : i32
      %mul3A_161 = arith.muli %scan3A_87, %mul3A_160 : i32
      %add3A_162 = arith.constant 2 : i32
      %add3A_163 = arith.addi %mul3A_161, %add3A_162 : i32
      %ge3A_164 = arith.constant 2 : i32
      %ge3A_165 = arith.cmpi sge, %add3A_163, %ge3A_164 : i32
      %convert_element_type3A_166 = arith.extui %ge3A_165 : i1 to i32
      %cond3A_167 = arith.constant 0 : i32
      %cond3A_168 = arith.cmpi ne, %convert_element_type3A_166, %cond3A_167 : i32
      scf.if %cond3A_168 {
        %dma_wait3A_271 = arith.constant 0 : i32
        %dma_wait3A_272 = arith.constant 0 : i32
        %dma_wait3A_273 = tpu.memref_slice %arg9[%dma_wait3A_271, %dma_wait3A_272] : memref<200x128xf32, #tpu.memory_space<vmem>> -> memref<40x128xf32, #tpu.memory_space<vmem>>
        %dma_wait3A_274 = arith.constant 0 : i32
        %dma_wait3A_275 = arith.constant 0 : i32
        %dma_wait3A_276 = tpu.memref_slice %arg2[%dma_wait3A_274, %dma_wait3A_275] : memref<10000x128xf32, #tpu.memory_space<hbm>> -> memref<40x128xf32, #tpu.memory_space<hbm>>
        %dma_wait3A_277 = arith.constant 0 : i32
        %dma_wait3A_278 = arith.constant 0 : i32
        %dma_wait3A_279 = tpu.memref_slice %arg9[%dma_wait3A_277, %dma_wait3A_278] : memref<200x128xf32, #tpu.memory_space<vmem>> -> memref<40x128xf32, #tpu.memory_space<vmem>>
        %dma_wait3A_280 = arith.constant 0 : i32
        %dma_wait3A_281 = arith.constant 0 : i32
        %dma_wait3A_282 = tpu.memref_slice %arg2[%dma_wait3A_280, %dma_wait3A_281] : memref<10000x128xf32, #tpu.memory_space<hbm>> -> memref<40x128xf32, #tpu.memory_space<hbm>>
        tpu.wait_dma2 semaphore(%arg12 : memref<!tpu.dma_semaphore, #tpu.memory_space<semaphore_mem>>) src(%dma_wait3A_282 : memref<40x128xf32, #tpu.memory_space<hbm>>) dst(%dma_wait3A_279 : memref<40x128xf32, #tpu.memory_space<vmem>>)
      } else {
      }
      %add3A_169 = arith.constant 3 : i32
      %add3A_170 = arith.addi %add3A_163, %add3A_169 : i32
      %lt3A_171 = arith.constant 250 : i32
      %lt3A_172 = arith.cmpi slt, %add3A_170, %lt3A_171 : i32
      %convert_element_type3A_173 = arith.extui %lt3A_172 : i1 to i32
      %cond3A_174 = arith.constant 0 : i32
      %cond3A_175 = arith.cmpi ne, %convert_element_type3A_173, %cond3A_174 : i32
      scf.if %cond3A_175 {
        %add3A_271 = arith.constant 3 : i32
        %add3A_272 = arith.addi %add3A_163, %add3A_271 : i32
        %mul3A_273 = arith.constant 40 : i32
        %mul3A_274 = arith.muli %add3A_272, %mul3A_273 : i32
        %dma_start3A_275 = arith.constant 0 : i32
        %dma_start3A_276 = arith.constant 0 : i32
        %dma_start3A_277 = tpu.memref_slice %arg9[%dma_start3A_275, %dma_start3A_276] : memref<200x128xf32, #tpu.memory_space<vmem>> -> memref<40x128xf32, #tpu.memory_space<vmem>>
        %dma_start3A_278 = tpu.memref_slice %arg7[%mul3A_274] : memref<10000xi32, #tpu.memory_space<vmem>> -> memref<40xi32, #tpu.memory_space<vmem>>
        %dma_start3A_279 = arith.constant 0 : i32
        %dma_start3A_280 = arith.constant 0 : i32
        %dma_start3A_281 = tpu.memref_slice %arg2[%dma_start3A_279, %dma_start3A_280] : memref<10000x128xf32, #tpu.memory_space<hbm>> -> memref<10000x128xf32, #tpu.memory_space<hbm>>
        tpu.enqueue_indirect_dma source(%dma_start3A_281 : memref<10000x128xf32, #tpu.memory_space<hbm>>) target(%dma_start3A_277 : memref<40x128xf32, #tpu.memory_space<vmem>>) offsets(%dma_start3A_278 : memref<40xi32, #tpu.memory_space<vmem>>) semaphore(%arg11 : memref<!tpu.dma_semaphore, #tpu.memory_space<semaphore_mem>>)
      } else {
      }
      %dma_wait3A_176 = arith.constant 0 : i32
      %dma_wait3A_177 = arith.constant 0 : i32
      %dma_wait3A_178 = tpu.memref_slice %arg9[%dma_wait3A_176, %dma_wait3A_177] : memref<200x128xf32, #tpu.memory_space<vmem>> -> memref<40x128xf32, #tpu.memory_space<vmem>>
      %dma_wait3A_179 = arith.constant 0 : i32
      %dma_wait3A_180 = arith.constant 0 : i32
      %dma_wait3A_181 = tpu.memref_slice %arg2[%dma_wait3A_179, %dma_wait3A_180] : memref<10000x128xf32, #tpu.memory_space<hbm>> -> memref<40x128xf32, #tpu.memory_space<hbm>>
      %dma_wait3A_182 = arith.constant 0 : i32
      %dma_wait3A_183 = arith.constant 0 : i32
      %dma_wait3A_184 = tpu.memref_slice %arg9[%dma_wait3A_182, %dma_wait3A_183] : memref<200x128xf32, #tpu.memory_space<vmem>> -> memref<40x128xf32, #tpu.memory_space<vmem>>
      %dma_wait3A_185 = arith.constant 0 : i32
      %dma_wait3A_186 = arith.constant 0 : i32
      %dma_wait3A_187 = tpu.memref_slice %arg2[%dma_wait3A_185, %dma_wait3A_186] : memref<10000x128xf32, #tpu.memory_space<hbm>> -> memref<40x128xf32, #tpu.memory_space<hbm>>
      tpu.wait_dma2 semaphore(%arg11 : memref<!tpu.dma_semaphore, #tpu.memory_space<semaphore_mem>>) src(%dma_wait3A_187 : memref<40x128xf32, #tpu.memory_space<hbm>>) dst(%dma_wait3A_184 : memref<40x128xf32, #tpu.memory_space<vmem>>)
      %mul3A_188 = arith.constant 40 : i32
      %mul3A_189 = arith.muli %add3A_163, %mul3A_188 : i32
      %dma_start3A_190 = arith.constant 80 : i32
      %dma_start3A_191 = arith.constant 0 : i32
      %dma_start3A_192 = tpu.memref_slice %arg9[%dma_start3A_190, %dma_start3A_191] : memref<200x128xf32, #tpu.memory_space<vmem>> -> memref<40x128xf32, #tpu.memory_space<vmem>>
      %dma_start3A_193 = tpu.memref_slice %arg8[%mul3A_189] : memref<10000xi32, #tpu.memory_space<vmem>> -> memref<40xi32, #tpu.memory_space<vmem>>
      %dma_start3A_194 = arith.constant 0 : i32
      %dma_start3A_195 = arith.constant 0 : i32
      %dma_start3A_196 = tpu.memref_slice %arg10[%dma_start3A_194, %dma_start3A_195] : memref<10240x128xf32, #tpu.memory_space<vmem_shared>> -> memref<10240x128xf32, #tpu.memory_space<vmem_shared>>
      tpu.enqueue_indirect_dma source(%dma_start3A_192 : memref<40x128xf32, #tpu.memory_space<vmem>>) target(%dma_start3A_196 : memref<10240x128xf32, #tpu.memory_space<vmem_shared>>) offsets(%dma_start3A_193 : memref<40xi32, #tpu.memory_space<vmem>>) semaphore(%arg12 : memref<!tpu.dma_semaphore, #tpu.memory_space<semaphore_mem>>) {add = true}
      %mul3A_197 = arith.constant 5 : i32
      %mul3A_198 = arith.muli %scan3A_87, %mul3A_197 : i32
      %add3A_199 = arith.constant 3 : i32
      %add3A_200 = arith.addi %mul3A_198, %add3A_199 : i32
      %ge3A_201 = arith.constant 2 : i32
      %ge3A_202 = arith.cmpi sge, %add3A_200, %ge3A_201 : i32
      %convert_element_type3A_203 = arith.extui %ge3A_202 : i1 to i32
      %cond3A_204 = arith.constant 0 : i32
      %cond3A_205 = arith.cmpi ne, %convert_element_type3A_203, %cond3A_204 : i32
      scf.if %cond3A_205 {
        %dma_wait3A_271 = arith.constant 0 : i32
        %dma_wait3A_272 = arith.constant 0 : i32
        %dma_wait3A_273 = tpu.memref_slice %arg9[%dma_wait3A_271, %dma_wait3A_272] : memref<200x128xf32, #tpu.memory_space<vmem>> -> memref<40x128xf32, #tpu.memory_space<vmem>>
        %dma_wait3A_274 = arith.constant 0 : i32
        %dma_wait3A_275 = arith.constant 0 : i32
        %dma_wait3A_276 = tpu.memref_slice %arg2[%dma_wait3A_274, %dma_wait3A_275] : memref<10000x128xf32, #tpu.memory_space<hbm>> -> memref<40x128xf32, #tpu.memory_space<hbm>>
        %dma_wait3A_277 = arith.constant 0 : i32
        %dma_wait3A_278 = arith.constant 0 : i32
        %dma_wait3A_279 = tpu.memref_slice %arg9[%dma_wait3A_277, %dma_wait3A_278] : memref<200x128xf32, #tpu.memory_space<vmem>> -> memref<40x128xf32, #tpu.memory_space<vmem>>
        %dma_wait3A_280 = arith.constant 0 : i32
        %dma_wait3A_281 = arith.constant 0 : i32
        %dma_wait3A_282 = tpu.memref_slice %arg2[%dma_wait3A_280, %dma_wait3A_281] : memref<10000x128xf32, #tpu.memory_space<hbm>> -> memref<40x128xf32, #tpu.memory_space<hbm>>
        tpu.wait_dma2 semaphore(%arg12 : memref<!tpu.dma_semaphore, #tpu.memory_space<semaphore_mem>>) src(%dma_wait3A_282 : memref<40x128xf32, #tpu.memory_space<hbm>>) dst(%dma_wait3A_279 : memref<40x128xf32, #tpu.memory_space<vmem>>)
      } else {
      }
      %add3A_206 = arith.constant 3 : i32
      %add3A_207 = arith.addi %add3A_200, %add3A_206 : i32
      %lt3A_208 = arith.constant 250 : i32
      %lt3A_209 = arith.cmpi slt, %add3A_207, %lt3A_208 : i32
      %convert_element_type3A_210 = arith.extui %lt3A_209 : i1 to i32
      %cond3A_211 = arith.constant 0 : i32
      %cond3A_212 = arith.cmpi ne, %convert_element_type3A_210, %cond3A_211 : i32
      scf.if %cond3A_212 {
        %add3A_271 = arith.constant 3 : i32
        %add3A_272 = arith.addi %add3A_200, %add3A_271 : i32
        %mul3A_273 = arith.constant 40 : i32
        %mul3A_274 = arith.muli %add3A_272, %mul3A_273 : i32
        %dma_start3A_275 = arith.constant 40 : i32
        %dma_start3A_276 = arith.constant 0 : i32
        %dma_start3A_277 = tpu.memref_slice %arg9[%dma_start3A_275, %dma_start3A_276] : memref<200x128xf32, #tpu.memory_space<vmem>> -> memref<40x128xf32, #tpu.memory_space<vmem>>
        %dma_start3A_278 = tpu.memref_slice %arg7[%mul3A_274] : memref<10000xi32, #tpu.memory_space<vmem>> -> memref<40xi32, #tpu.memory_space<vmem>>
        %dma_start3A_279 = arith.constant 0 : i32
        %dma_start3A_280 = arith.constant 0 : i32
        %dma_start3A_281 = tpu.memref_slice %arg2[%dma_start3A_279, %dma_start3A_280] : memref<10000x128xf32, #tpu.memory_space<hbm>> -> memref<10000x128xf32, #tpu.memory_space<hbm>>
        tpu.enqueue_indirect_dma source(%dma_start3A_281 : memref<10000x128xf32, #tpu.memory_space<hbm>>) target(%dma_start3A_277 : memref<40x128xf32, #tpu.memory_space<vmem>>) offsets(%dma_start3A_278 : memref<40xi32, #tpu.memory_space<vmem>>) semaphore(%arg11 : memref<!tpu.dma_semaphore, #tpu.memory_space<semaphore_mem>>)
      } else {
      }
      %dma_wait3A_213 = arith.constant 0 : i32
      %dma_wait3A_214 = arith.constant 0 : i32
      %dma_wait3A_215 = tpu.memref_slice %arg9[%dma_wait3A_213, %dma_wait3A_214] : memref<200x128xf32, #tpu.memory_space<vmem>> -> memref<40x128xf32, #tpu.memory_space<vmem>>
      %dma_wait3A_216 = arith.constant 0 : i32
      %dma_wait3A_217 = arith.constant 0 : i32
      %dma_wait3A_218 = tpu.memref_slice %arg2[%dma_wait3A_216, %dma_wait3A_217] : memref<10000x128xf32, #tpu.memory_space<hbm>> -> memref<40x128xf32, #tpu.memory_space<hbm>>
      %dma_wait3A_219 = arith.constant 0 : i32
      %dma_wait3A_220 = arith.constant 0 : i32
      %dma_wait3A_221 = tpu.memref_slice %arg9[%dma_wait3A_219, %dma_wait3A_220] : memref<200x128xf32, #tpu.memory_space<vmem>> -> memref<40x128xf32, #tpu.memory_space<vmem>>
      %dma_wait3A_222 = arith.constant 0 : i32
      %dma_wait3A_223 = arith.constant 0 : i32
      %dma_wait3A_224 = tpu.memref_slice %arg2[%dma_wait3A_222, %dma_wait3A_223] : memref<10000x128xf32, #tpu.memory_space<hbm>> -> memref<40x128xf32, #tpu.memory_space<hbm>>
      tpu.wait_dma2 semaphore(%arg11 : memref<!tpu.dma_semaphore, #tpu.memory_space<semaphore_mem>>) src(%dma_wait3A_224 : memref<40x128xf32, #tpu.memory_space<hbm>>) dst(%dma_wait3A_221 : memref<40x128xf32, #tpu.memory_space<vmem>>)
      %mul3A_225 = arith.constant 40 : i32
      %mul3A_226 = arith.muli %add3A_200, %mul3A_225 : i32
      %dma_start3A_227 = arith.constant 120 : i32
      %dma_start3A_228 = arith.constant 0 : i32
      %dma_start3A_229 = tpu.memref_slice %arg9[%dma_start3A_227, %dma_start3A_228] : memref<200x128xf32, #tpu.memory_space<vmem>> -> memref<40x128xf32, #tpu.memory_space<vmem>>
      %dma_start3A_230 = tpu.memref_slice %arg8[%mul3A_226] : memref<10000xi32, #tpu.memory_space<vmem>> -> memref<40xi32, #tpu.memory_space<vmem>>
      %dma_start3A_231 = arith.constant 0 : i32
      %dma_start3A_232 = arith.constant 0 : i32
      %dma_start3A_233 = tpu.memref_slice %arg10[%dma_start3A_231, %dma_start3A_232] : memref<10240x128xf32, #tpu.memory_space<vmem_shared>> -> memref<10240x128xf32, #tpu.memory_space<vmem_shared>>
      tpu.enqueue_indirect_dma source(%dma_start3A_229 : memref<40x128xf32, #tpu.memory_space<vmem>>) target(%dma_start3A_233 : memref<10240x128xf32, #tpu.memory_space<vmem_shared>>) offsets(%dma_start3A_230 : memref<40xi32, #tpu.memory_space<vmem>>) semaphore(%arg12 : memref<!tpu.dma_semaphore, #tpu.memory_space<semaphore_mem>>) {add = true}
      %mul3A_234 = arith.constant 5 : i32
      %mul3A_235 = arith.muli %scan3A_87, %mul3A_234 : i32
      %add3A_236 = arith.constant 4 : i32
      %add3A_237 = arith.addi %mul3A_235, %add3A_236 : i32
      %ge3A_238 = arith.constant 2 : i32
      %ge3A_239 = arith.cmpi sge, %add3A_237, %ge3A_238 : i32
      %convert_element_type3A_240 = arith.extui %ge3A_239 : i1 to i32
      %cond3A_241 = arith.constant 0 : i32
      %cond3A_242 = arith.cmpi ne, %convert_element_type3A_240, %cond3A_241 : i32
      scf.if %cond3A_242 {
        %dma_wait3A_271 = arith.constant 0 : i32
        %dma_wait3A_272 = arith.constant 0 : i32
        %dma_wait3A_273 = tpu.memref_slice %arg9[%dma_wait3A_271, %dma_wait3A_272] : memref<200x128xf32, #tpu.memory_space<vmem>> -> memref<40x128xf32, #tpu.memory_space<vmem>>
        %dma_wait3A_274 = arith.constant 0 : i32
        %dma_wait3A_275 = arith.constant 0 : i32
        %dma_wait3A_276 = tpu.memref_slice %arg2[%dma_wait3A_274, %dma_wait3A_275] : memref<10000x128xf32, #tpu.memory_space<hbm>> -> memref<40x128xf32, #tpu.memory_space<hbm>>
        %dma_wait3A_277 = arith.constant 0 : i32
        %dma_wait3A_278 = arith.constant 0 : i32
        %dma_wait3A_279 = tpu.memref_slice %arg9[%dma_wait3A_277, %dma_wait3A_278] : memref<200x128xf32, #tpu.memory_space<vmem>> -> memref<40x128xf32, #tpu.memory_space<vmem>>
        %dma_wait3A_280 = arith.constant 0 : i32
        %dma_wait3A_281 = arith.constant 0 : i32
        %dma_wait3A_282 = tpu.memref_slice %arg2[%dma_wait3A_280, %dma_wait3A_281] : memref<10000x128xf32, #tpu.memory_space<hbm>> -> memref<40x128xf32, #tpu.memory_space<hbm>>
        tpu.wait_dma2 semaphore(%arg12 : memref<!tpu.dma_semaphore, #tpu.memory_space<semaphore_mem>>) src(%dma_wait3A_282 : memref<40x128xf32, #tpu.memory_space<hbm>>) dst(%dma_wait3A_279 : memref<40x128xf32, #tpu.memory_space<vmem>>)
      } else {
      }
      %add3A_243 = arith.constant 3 : i32
      %add3A_244 = arith.addi %add3A_237, %add3A_243 : i32
      %lt3A_245 = arith.constant 250 : i32
      %lt3A_246 = arith.cmpi slt, %add3A_244, %lt3A_245 : i32
      %convert_element_type3A_247 = arith.extui %lt3A_246 : i1 to i32
      %cond3A_248 = arith.constant 0 : i32
      %cond3A_249 = arith.cmpi ne, %convert_element_type3A_247, %cond3A_248 : i32
      scf.if %cond3A_249 {
        %add3A_271 = arith.constant 3 : i32
        %add3A_272 = arith.addi %add3A_237, %add3A_271 : i32
        %mul3A_273 = arith.constant 40 : i32
        %mul3A_274 = arith.muli %add3A_272, %mul3A_273 : i32
        %dma_start3A_275 = arith.constant 80 : i32
        %dma_start3A_276 = arith.constant 0 : i32
        %dma_start3A_277 = tpu.memref_slice %arg9[%dma_start3A_275, %dma_start3A_276] : memref<200x128xf32, #tpu.memory_space<vmem>> -> memref<40x128xf32, #tpu.memory_space<vmem>>
        %dma_start3A_278 = tpu.memref_slice %arg7[%mul3A_274] : memref<10000xi32, #tpu.memory_space<vmem>> -> memref<40xi32, #tpu.memory_space<vmem>>
        %dma_start3A_279 = arith.constant 0 : i32
        %dma_start3A_280 = arith.constant 0 : i32
        %dma_start3A_281 = tpu.memref_slice %arg2[%dma_start3A_279, %dma_start3A_280] : memref<10000x128xf32, #tpu.memory_space<hbm>> -> memref<10000x128xf32, #tpu.memory_space<hbm>>
        tpu.enqueue_indirect_dma source(%dma_start3A_281 : memref<10000x128xf32, #tpu.memory_space<hbm>>) target(%dma_start3A_277 : memref<40x128xf32, #tpu.memory_space<vmem>>) offsets(%dma_start3A_278 : memref<40xi32, #tpu.memory_space<vmem>>) semaphore(%arg11 : memref<!tpu.dma_semaphore, #tpu.memory_space<semaphore_mem>>)
      } else {
      }
      %dma_wait3A_250 = arith.constant 0 : i32
      %dma_wait3A_251 = arith.constant 0 : i32
      %dma_wait3A_252 = tpu.memref_slice %arg9[%dma_wait3A_250, %dma_wait3A_251] : memref<200x128xf32, #tpu.memory_space<vmem>> -> memref<40x128xf32, #tpu.memory_space<vmem>>
      %dma_wait3A_253 = arith.constant 0 : i32
      %dma_wait3A_254 = arith.constant 0 : i32
      %dma_wait3A_255 = tpu.memref_slice %arg2[%dma_wait3A_253, %dma_wait3A_254] : memref<10000x128xf32, #tpu.memory_space<hbm>> -> memref<40x128xf32, #tpu.memory_space<hbm>>
      %dma_wait3A_256 = arith.constant 0 : i32
      %dma_wait3A_257 = arith.constant 0 : i32
      %dma_wait3A_258 = tpu.memref_slice %arg9[%dma_wait3A_256, %dma_wait3A_257] : memref<200x128xf32, #tpu.memory_space<vmem>> -> memref<40x128xf32, #tpu.memory_space<vmem>>
      %dma_wait3A_259 = arith.constant 0 : i32
      %dma_wait3A_260 = arith.constant 0 : i32
      %dma_wait3A_261 = tpu.memref_slice %arg2[%dma_wait3A_259, %dma_wait3A_260] : memref<10000x128xf32, #tpu.memory_space<hbm>> -> memref<40x128xf32, #tpu.memory_space<hbm>>
      tpu.wait_dma2 semaphore(%arg11 : memref<!tpu.dma_semaphore, #tpu.memory_space<semaphore_mem>>) src(%dma_wait3A_261 : memref<40x128xf32, #tpu.memory_space<hbm>>) dst(%dma_wait3A_258 : memref<40x128xf32, #tpu.memory_space<vmem>>)
      %mul3A_262 = arith.constant 40 : i32
      %mul3A_263 = arith.muli %add3A_237, %mul3A_262 : i32
      %dma_start3A_264 = arith.constant 160 : i32
      %dma_start3A_265 = arith.constant 0 : i32
      %dma_start3A_266 = tpu.memref_slice %arg9[%dma_start3A_264, %dma_start3A_265] : memref<200x128xf32, #tpu.memory_space<vmem>> -> memref<40x128xf32, #tpu.memory_space<vmem>>
      %dma_start3A_267 = tpu.memref_slice %arg8[%mul3A_263] : memref<10000xi32, #tpu.memory_space<vmem>> -> memref<40xi32, #tpu.memory_space<vmem>>
      %dma_start3A_268 = arith.constant 0 : i32
      %dma_start3A_269 = arith.constant 0 : i32
      %dma_start3A_270 = tpu.memref_slice %arg10[%dma_start3A_268, %dma_start3A_269] : memref<10240x128xf32, #tpu.memory_space<vmem_shared>> -> memref<10240x128xf32, #tpu.memory_space<vmem_shared>>
      tpu.enqueue_indirect_dma source(%dma_start3A_266 : memref<40x128xf32, #tpu.memory_space<vmem>>) target(%dma_start3A_270 : memref<10240x128xf32, #tpu.memory_space<vmem_shared>>) offsets(%dma_start3A_267 : memref<40xi32, #tpu.memory_space<vmem>>) semaphore(%arg12 : memref<!tpu.dma_semaphore, #tpu.memory_space<semaphore_mem>>) {add = true}
    }
    %scan3A_55 = arith.constant 50 : i32
    %dma_wait3A = arith.constant 0 : i32
    %dma_wait3A_56 = arith.constant 0 : i32
    %dma_wait3A_57 = tpu.memref_slice %arg9[%dma_wait3A, %dma_wait3A_56] : memref<200x128xf32, #tpu.memory_space<vmem>> -> memref<40x128xf32, #tpu.memory_space<vmem>>
    %dma_wait3A_58 = arith.constant 0 : i32
    %dma_wait3A_59 = arith.constant 0 : i32
    %dma_wait3A_60 = tpu.memref_slice %arg2[%dma_wait3A_58, %dma_wait3A_59] : memref<10000x128xf32, #tpu.memory_space<hbm>> -> memref<40x128xf32, #tpu.memory_space<hbm>>
    %dma_wait3A_61 = arith.constant 0 : i32
    %dma_wait3A_62 = arith.constant 0 : i32
    %dma_wait3A_63 = tpu.memref_slice %arg9[%dma_wait3A_61, %dma_wait3A_62] : memref<200x128xf32, #tpu.memory_space<vmem>> -> memref<40x128xf32, #tpu.memory_space<vmem>>
    %dma_wait3A_64 = arith.constant 0 : i32
    %dma_wait3A_65 = arith.constant 0 : i32
    %dma_wait3A_66 = tpu.memref_slice %arg2[%dma_wait3A_64, %dma_wait3A_65] : memref<10000x128xf32, #tpu.memory_space<hbm>> -> memref<40x128xf32, #tpu.memory_space<hbm>>
    tpu.wait_dma2 semaphore(%arg12 : memref<!tpu.dma_semaphore, #tpu.memory_space<semaphore_mem>>) src(%dma_wait3A_66 : memref<40x128xf32, #tpu.memory_space<hbm>>) dst(%dma_wait3A_63 : memref<40x128xf32, #tpu.memory_space<vmem>>)
    %dma_wait3A_67 = arith.constant 0 : i32
    %dma_wait3A_68 = arith.constant 0 : i32
    %dma_wait3A_69 = tpu.memref_slice %arg9[%dma_wait3A_67, %dma_wait3A_68] : memref<200x128xf32, #tpu.memory_space<vmem>> -> memref<40x128xf32, #tpu.memory_space<vmem>>
    %dma_wait3A_70 = arith.constant 0 : i32
    %dma_wait3A_71 = arith.constant 0 : i32
    %dma_wait3A_72 = tpu.memref_slice %arg2[%dma_wait3A_70, %dma_wait3A_71] : memref<10000x128xf32, #tpu.memory_space<hbm>> -> memref<40x128xf32, #tpu.memory_space<hbm>>
    %dma_wait3A_73 = arith.constant 0 : i32
    %dma_wait3A_74 = arith.constant 0 : i32
    %dma_wait3A_75 = tpu.memref_slice %arg9[%dma_wait3A_73, %dma_wait3A_74] : memref<200x128xf32, #tpu.memory_space<vmem>> -> memref<40x128xf32, #tpu.memory_space<vmem>>
    %dma_wait3A_76 = arith.constant 0 : i32
    %dma_wait3A_77 = arith.constant 0 : i32
    %dma_wait3A_78 = tpu.memref_slice %arg2[%dma_wait3A_76, %dma_wait3A_77] : memref<10000x128xf32, #tpu.memory_space<hbm>> -> memref<40x128xf32, #tpu.memory_space<hbm>>
    tpu.wait_dma2 semaphore(%arg12 : memref<!tpu.dma_semaphore, #tpu.memory_space<semaphore_mem>>) src(%dma_wait3A_78 : memref<40x128xf32, #tpu.memory_space<hbm>>) dst(%dma_wait3A_75 : memref<40x128xf32, #tpu.memory_space<vmem>>)
    %barrier3A_79 = arith.constant 0 : index
    tpu.barrier barrier_id(%barrier3A_79)
    %eq3A = arith.constant 0 : i32
    %eq3A_80 = arith.cmpi eq, %arg0, %eq3A : i32
    %convert_element_type3A = arith.extui %eq3A_80 : i1 to i32
    %cond3A = arith.constant 0 : i32
    %cond3A_81 = arith.cmpi ne, %convert_element_type3A, %cond3A : i32
    scf.if %cond3A_81 {
      %mul3A_87 = arith.constant 640 : i32
      %mul3A_88 = arith.muli %arg1, %mul3A_87 : i32
      %mul3A_89 = arith.constant 640 : i32
      %mul3A_90 = arith.muli %arg1, %mul3A_89 : i32
      "tpu.region"() ({
        %run_scoped3A = tpu.sem_alloc : memref<!tpu.dma_semaphore, #tpu.memory_space<semaphore_mem>>
        %dma_start3A_91 = arith.constant 0 : i32
        %dma_start3A_92 = tpu.memref_slice %arg5[%mul3A_90, %dma_start3A_91] : memref<10240x128xf32, #tpu.memory_space<hbm>> -> memref<640x128xf32, #tpu.memory_space<hbm>>
        %dma_start3A_93 = arith.constant 0 : i32
        %dma_start3A_94 = tpu.memref_slice %arg10[%mul3A_88, %dma_start3A_93] : memref<10240x128xf32, #tpu.memory_space<vmem_shared>> -> memref<640x128xf32, #tpu.memory_space<vmem_shared>>
        tpu.enqueue_dma source(%dma_start3A_94 : memref<640x128xf32, #tpu.memory_space<vmem_shared>>) target(%dma_start3A_92 : memref<640x128xf32, #tpu.memory_space<hbm>>) target_semaphore(%run_scoped3A : memref<!tpu.dma_semaphore, #tpu.memory_space<semaphore_mem>>)
        %dma_wait3A_95 = arith.constant 0 : i32
        %dma_wait3A_96 = tpu.memref_slice %arg5[%mul3A_90, %dma_wait3A_95] : memref<10240x128xf32, #tpu.memory_space<hbm>> -> memref<640x128xf32, #tpu.memory_space<hbm>>
        %dma_wait3A_97 = arith.constant 0 : i32
        %dma_wait3A_98 = tpu.memref_slice %arg10[%mul3A_88, %dma_wait3A_97] : memref<10240x128xf32, #tpu.memory_space<vmem_shared>> -> memref<640x128xf32, #tpu.memory_space<vmem_shared>>
        tpu.wait_dma2 semaphore(%run_scoped3A : memref<!tpu.dma_semaphore, #tpu.memory_space<semaphore_mem>>) src(%dma_wait3A_98 : memref<640x128xf32, #tpu.memory_space<vmem_shared>>) dst(%dma_wait3A_96 : memref<640x128xf32, #tpu.memory_space<hbm>>)
        tpu.yield
      }) : () -> ()
    } else {
    }
    %eq3A_82 = arith.constant 1 : i32
    %eq3A_83 = arith.cmpi eq, %arg0, %eq3A_82 : i32
    %convert_element_type3A_84 = arith.extui %eq3A_83 : i1 to i32
    %cond3A_85 = arith.constant 0 : i32
    %cond3A_86 = arith.cmpi ne, %convert_element_type3A_84, %cond3A_85 : i32
    scf.if %cond3A_86 {
      %mul3A_87 = arith.constant 640 : i32
      %mul3A_88 = arith.muli %arg1, %mul3A_87 : i32
      %mul3A_89 = arith.constant 640 : i32
      %mul3A_90 = arith.muli %arg1, %mul3A_89 : i32
      "tpu.region"() ({
        %run_scoped3A = tpu.sem_alloc : memref<!tpu.dma_semaphore, #tpu.memory_space<semaphore_mem>>
        %dma_start3A_91 = arith.constant 0 : i32
        %dma_start3A_92 = tpu.memref_slice %arg6[%mul3A_90, %dma_start3A_91] : memref<10240x128xf32, #tpu.memory_space<hbm>> -> memref<640x128xf32, #tpu.memory_space<hbm>>
        %dma_start3A_93 = arith.constant 0 : i32
        %dma_start3A_94 = tpu.memref_slice %arg10[%mul3A_88, %dma_start3A_93] : memref<10240x128xf32, #tpu.memory_space<vmem_shared>> -> memref<640x128xf32, #tpu.memory_space<vmem_shared>>
        tpu.enqueue_dma source(%dma_start3A_94 : memref<640x128xf32, #tpu.memory_space<vmem_shared>>) target(%dma_start3A_92 : memref<640x128xf32, #tpu.memory_space<hbm>>) target_semaphore(%run_scoped3A : memref<!tpu.dma_semaphore, #tpu.memory_space<semaphore_mem>>)
        %dma_wait3A_95 = arith.constant 0 : i32
        %dma_wait3A_96 = tpu.memref_slice %arg6[%mul3A_90, %dma_wait3A_95] : memref<10240x128xf32, #tpu.memory_space<hbm>> -> memref<640x128xf32, #tpu.memory_space<hbm>>
        %dma_wait3A_97 = arith.constant 0 : i32
        %dma_wait3A_98 = tpu.memref_slice %arg10[%mul3A_88, %dma_wait3A_97] : memref<10240x128xf32, #tpu.memory_space<vmem_shared>> -> memref<640x128xf32, #tpu.memory_space<vmem_shared>>
        tpu.wait_dma2 semaphore(%run_scoped3A : memref<!tpu.dma_semaphore, #tpu.memory_space<semaphore_mem>>) src(%dma_wait3A_98 : memref<640x128xf32, #tpu.memory_space<vmem_shared>>) dst(%dma_wait3A_96 : memref<640x128xf32, #tpu.memory_space<hbm>>)
        tpu.yield
      }) : () -> ()
    } else {
    }
    return
  }
}

module attributes {stable_mosaic.version = 14 : i64} {
  func.func @_mm1_body(%arg0: i32, %arg1: memref<1000x128xf32, #tpu.memory_space<vmem>>, %arg2: memref<128x128xf32, #tpu.memory_space<vmem>>, %arg3: memref<1000x128xf32, #tpu.memory_space<vmem>>) attributes {dimension_semantics = [#tpu.dimension_semantics<arbitrary>], iteration_bounds = array<i64: 10>, scalar_prefetch = 0 : i64, scratch_operands = 0 : i64, tpu.core_type = #tpu.core_type<tc>, window_params = [{transform_indices = @transform_0, window_bounds = array<i64: 1000, 128>}, {pipeline_mode = #tpu.pipeline_mode<synchronous>, transform_indices = @transform_1, window_bounds = array<i64: 128, 128>}, {transform_indices = @transform_2, window_bounds = array<i64: 1000, 128>}]} {
    %get3A = arith.constant 0 : index
    %get3A_0 = arith.constant 0 : index
    %get3A_1 = vector.load %arg1[%get3A, %get3A_0] : memref<1000x128xf32, #tpu.memory_space<vmem>>, vector<1000x128xf32>
    %get3A_2 = arith.constant 0 : index
    %get3A_3 = arith.constant 0 : index
    %get3A_4 = vector.load %arg2[%get3A_2, %get3A_3] : memref<128x128xf32, #tpu.memory_space<vmem>>, vector<128x128xf32>
    %dot_general3A = arith.constant dense<0.000000e+00> : vector<1000x128xf32>
    %dot_general3A_5 = tpu.matmul %get3A_1, %get3A_4, %dot_general3A {dimension_numbers = #tpu.dot_dimension_numbers<[1], [1], [0], [0], [0, 0, 1, 0], [], []>, transpose_lhs_hint = false} : vector<1000x128xf32>, vector<128x128xf32>, vector<1000x128xf32> -> vector<1000x128xf32>
    %swap3A = arith.constant 0 : index
    %swap3A_6 = arith.constant 0 : index
    %swap3A_7 = vector.load %arg3[%swap3A, %swap3A_6] : memref<1000x128xf32, #tpu.memory_space<vmem>>, vector<1000x128xf32>
    tpu.vector_store %arg3[%swap3A, %swap3A_6], %dot_general3A_5 {strides = array<i32>} : memref<1000x128xf32, #tpu.memory_space<vmem>>, vector<1000x128xf32>,
    return
  }
  func.func @transform_0(%arg0: i32) -> (i32, i32) {
    %c0_i32 = arith.constant 0 : i32
    %c0_i32_0 = arith.constant 0 : i32
    return %arg0, %c0_i32 : i32, i32
  }
  func.func @transform_1(%arg0: i32) -> (i32, i32) {
    %c0_i32 = arith.constant 0 : i32
    %c0_i32_0 = arith.constant 0 : i32
    %c0_i32_1 = arith.constant 0 : i32
    return %c0_i32, %c0_i32_0 : i32, i32
  }
  func.func @transform_2(%arg0: i32) -> (i32, i32) {
    %c0_i32 = arith.constant 0 : i32
    %c0_i32_0 = arith.constant 0 : i32
    return %arg0, %c0_i32 : i32, i32
  }
}

module attributes {stable_mosaic.version = 14 : i64} {
  func.func @_comb_mm_body(%arg0: i32, %arg1: memref<1000x128xf32, #tpu.memory_space<vmem>>, %arg2: memref<1000x128xf32, #tpu.memory_space<vmem>>, %arg3: memref<1000x128xf32, #tpu.memory_space<vmem>>, %arg4: memref<128x128xf32, #tpu.memory_space<vmem>>, %arg5: memref<1x128xf32, #tpu.memory_space<vmem>>, %arg6: memref<128x128xf32, #tpu.memory_space<vmem>>, %arg7: memref<128x128xf32, #tpu.memory_space<vmem>>, %arg8: memref<1x128xf32, #tpu.memory_space<vmem>>, %arg9: memref<1000x128xf32, #tpu.memory_space<vmem>>, %arg10: memref<1000x128xf32, #tpu.memory_space<vmem>>) attributes {dimension_semantics = [#tpu.dimension_semantics<arbitrary>], iteration_bounds = array<i64: 10>, scalar_prefetch = 0 : i64, scratch_operands = 0 : i64, tpu.core_type = #tpu.core_type<tc>, window_params = [{transform_indices = @transform_0, window_bounds = array<i64: 1000, 128>}, {transform_indices = @transform_1, window_bounds = array<i64: 1000, 128>}, {transform_indices = @transform_2, window_bounds = array<i64: 1000, 128>}, {pipeline_mode = #tpu.pipeline_mode<synchronous>, transform_indices = @transform_3, window_bounds = array<i64: 128, 128>}, {pipeline_mode = #tpu.pipeline_mode<synchronous>, transform_indices = @transform_4, window_bounds = array<i64: 1, 128>}, {pipeline_mode = #tpu.pipeline_mode<synchronous>, transform_indices = @transform_5, window_bounds = array<i64: 128, 128>}, {pipeline_mode = #tpu.pipeline_mode<synchronous>, transform_indices = @transform_6, window_bounds = array<i64: 128, 128>}, {pipeline_mode = #tpu.pipeline_mode<synchronous>, transform_indices = @transform_7, window_bounds = array<i64: 1, 128>}, {transform_indices = @transform_8, window_bounds = array<i64: 1000, 128>}, {transform_indices = @transform_9, window_bounds = array<i64: 1000, 128>}]} {
    %get3A = arith.constant 0 : index
    %get3A_0 = arith.constant 0 : index
    %get3A_1 = vector.load %arg1[%get3A, %get3A_0] : memref<1000x128xf32, #tpu.memory_space<vmem>>, vector<1000x128xf32>
    %get3A_2 = arith.constant 0 : index
    %get3A_3 = arith.constant 0 : index
    %get3A_4 = vector.load %arg2[%get3A_2, %get3A_3] : memref<1000x128xf32, #tpu.memory_space<vmem>>, vector<1000x128xf32>
    %add3A = arith.addf %get3A_1, %get3A_4 : vector<1000x128xf32>
    %get3A_5 = arith.constant 0 : index
    %get3A_6 = arith.constant 0 : index
    %get3A_7 = vector.load %arg3[%get3A_5, %get3A_6] : memref<1000x128xf32, #tpu.memory_space<vmem>>, vector<1000x128xf32>
    %get3A_8 = arith.constant 0 : index
    %get3A_9 = arith.constant 0 : index
    %get3A_10 = vector.load %arg4[%get3A_8, %get3A_9] : memref<128x128xf32, #tpu.memory_space<vmem>>, vector<128x128xf32>
    %dot_general3A = arith.constant dense<0.000000e+00> : vector<1000x128xf32>
    %dot_general3A_11 = tpu.matmul %get3A_7, %get3A_10, %dot_general3A {dimension_numbers = #tpu.dot_dimension_numbers<[1], [1], [0], [0], [0, 0, 1, 0], [], []>, transpose_lhs_hint = false} : vector<1000x128xf32>, vector<128x128xf32>, vector<1000x128xf32> -> vector<1000x128xf32>
    %add3A_12 = arith.addf %add3A, %dot_general3A_11 : vector<1000x128xf32>
    %get3A_13 = arith.constant 0 : index
    %get3A_14 = arith.constant 0 : index
    %get3A_15 = vector.load %arg5[%get3A_13, %get3A_14] : memref<1x128xf32, #tpu.memory_space<vmem>>, vector<1x128xf32>
    %add3A_16 = vector.broadcast %get3A_15 : vector<1x128xf32> to vector<1000x128xf32>
    %add3A_17 = arith.addf %add3A_12, %add3A_16 : vector<1000x128xf32>
    %max3A = arith.constant 0.000000e+00 : f32
    %max3A_18 = vector.broadcast %max3A : f32 to vector<1000x128xf32>
    %max3A_19 = arith.maximumf %add3A_17, %max3A_18 : vector<1000x128xf32>
    %get3A_20 = arith.constant 0 : index
    %get3A_21 = arith.constant 0 : index
    %get3A_22 = vector.load %arg6[%get3A_20, %get3A_21] : memref<128x128xf32, #tpu.memory_space<vmem>>, vector<128x128xf32>
    %dot_general3A_23 = arith.constant dense<0.000000e+00> : vector<1000x128xf32>
    %dot_general3A_24 = tpu.matmul %max3A_19, %get3A_22, %dot_general3A_23 {dimension_numbers = #tpu.dot_dimension_numbers<[1], [1], [0], [0], [0, 0, 1, 0], [], []>, transpose_lhs_hint = false} : vector<1000x128xf32>, vector<128x128xf32>, vector<1000x128xf32> -> vector<1000x128xf32>
    %swap3A = arith.constant 0 : index
    %swap3A_25 = arith.constant 0 : index
    %swap3A_26 = vector.load %arg9[%swap3A, %swap3A_25] : memref<1000x128xf32, #tpu.memory_space<vmem>>, vector<1000x128xf32>
    tpu.vector_store %arg9[%swap3A, %swap3A_25], %dot_general3A_24 {strides = array<i32>} : memref<1000x128xf32, #tpu.memory_space<vmem>>, vector<1000x128xf32>,
    %get3A_27 = arith.constant 0 : index
    %get3A_28 = arith.constant 0 : index
    %get3A_29 = vector.load %arg7[%get3A_27, %get3A_28] : memref<128x128xf32, #tpu.memory_space<vmem>>, vector<128x128xf32>
    %dot_general3A_30 = arith.constant dense<0.000000e+00> : vector<1000x128xf32>
    %dot_general3A_31 = tpu.matmul %max3A_19, %get3A_29, %dot_general3A_30 {dimension_numbers = #tpu.dot_dimension_numbers<[1], [1], [0], [0], [0, 0, 1, 0], [], []>, transpose_lhs_hint = false} : vector<1000x128xf32>, vector<128x128xf32>, vector<1000x128xf32> -> vector<1000x128xf32>
    %get3A_32 = arith.constant 0 : index
    %get3A_33 = arith.constant 0 : index
    %get3A_34 = vector.load %arg8[%get3A_32, %get3A_33] : memref<1x128xf32, #tpu.memory_space<vmem>>, vector<1x128xf32>
    %add3A_35 = vector.broadcast %get3A_34 : vector<1x128xf32> to vector<1000x128xf32>
    %add3A_36 = arith.addf %dot_general3A_31, %add3A_35 : vector<1000x128xf32>
    %swap3A_37 = arith.constant 0 : index
    %swap3A_38 = arith.constant 0 : index
    %swap3A_39 = vector.load %arg10[%swap3A_37, %swap3A_38] : memref<1000x128xf32, #tpu.memory_space<vmem>>, vector<1000x128xf32>
    tpu.vector_store %arg10[%swap3A_37, %swap3A_38], %add3A_36 {strides = array<i32>} : memref<1000x128xf32, #tpu.memory_space<vmem>>, vector<1000x128xf32>,
    return
  }
  func.func @transform_0(%arg0: i32) -> (i32, i32) {
    %c0_i32 = arith.constant 0 : i32
    %c0_i32_0 = arith.constant 0 : i32
    return %arg0, %c0_i32 : i32, i32
  }
  func.func @transform_1(%arg0: i32) -> (i32, i32) {
    %c0_i32 = arith.constant 0 : i32
    %c0_i32_0 = arith.constant 0 : i32
    return %arg0, %c0_i32 : i32, i32
  }
  func.func @transform_2(%arg0: i32) -> (i32, i32) {
    %c0_i32 = arith.constant 0 : i32
    %c0_i32_0 = arith.constant 0 : i32
    return %arg0, %c0_i32 : i32, i32
  }
  func.func @transform_3(%arg0: i32) -> (i32, i32) {
    %c0_i32 = arith.constant 0 : i32
    %c0_i32_0 = arith.constant 0 : i32
    %c0_i32_1 = arith.constant 0 : i32
    return %c0_i32, %c0_i32_0 : i32, i32
  }
  func.func @transform_4(%arg0: i32) -> (i32, i32) {
    %c0_i32 = arith.constant 0 : i32
    %c0_i32_0 = arith.constant 0 : i32
    %c0_i32_1 = arith.constant 0 : i32
    return %c0_i32, %c0_i32_0 : i32, i32
  }
  func.func @transform_5(%arg0: i32) -> (i32, i32) {
    %c0_i32 = arith.constant 0 : i32
    %c0_i32_0 = arith.constant 0 : i32
    %c0_i32_1 = arith.constant 0 : i32
    return %c0_i32, %c0_i32_0 : i32, i32
  }
  func.func @transform_6(%arg0: i32) -> (i32, i32) {
    %c0_i32 = arith.constant 0 : i32
    %c0_i32_0 = arith.constant 0 : i32
    %c0_i32_1 = arith.constant 0 : i32
    return %c0_i32, %c0_i32_0 : i32, i32
  }
  func.func @transform_7(%arg0: i32) -> (i32, i32) {
    %c0_i32 = arith.constant 0 : i32
    %c0_i32_0 = arith.constant 0 : i32
    %c0_i32_1 = arith.constant 0 : i32
    return %c0_i32, %c0_i32_0 : i32, i32
  }
  func.func @transform_8(%arg0: i32) -> (i32, i32) {
    %c0_i32 = arith.constant 0 : i32
    %c0_i32_0 = arith.constant 0 : i32
    return %arg0, %c0_i32 : i32, i32
  }
  func.func @transform_9(%arg0: i32) -> (i32, i32) {
    %c0_i32 = arith.constant 0 : i32
    %c0_i32_0 = arith.constant 0 : i32
    return %arg0, %c0_i32 : i32, i32
  }
}

module attributes {stable_mosaic.version = 14 : i64} {
  func.func @_pool_body(%arg0: i32, %arg1: memref<1000x128xf32, #tpu.memory_space<vmem>>, %arg2: memref<1000x128xf32, #tpu.memory_space<vmem>>, %arg3: memref<1000x128xf32, #tpu.memory_space<vmem>>, %arg4: memref<1x1x1000xi32, #tpu.memory_space<vmem>>, %arg5: memref<64x128xf32, #tpu.memory_space<vmem>>) attributes {dimension_semantics = [#tpu.dimension_semantics<arbitrary>], iteration_bounds = array<i64: 10>, scalar_prefetch = 0 : i64, scratch_operands = 0 : i64, tpu.core_type = #tpu.core_type<tc>, window_params = [{transform_indices = @transform_0, window_bounds = array<i64: 1000, 128>}, {transform_indices = @transform_1, window_bounds = array<i64: 1000, 128>}, {transform_indices = @transform_2, window_bounds = array<i64: 1000, 128>}, {transform_indices = @transform_3, window_bounds = array<i64: 1, 1, 1000>}, {pipeline_mode = #tpu.pipeline_mode<synchronous>, transform_indices = @transform_4, window_bounds = array<i64: 64, 128>}]} {
    %get3A = arith.constant 0 : index
    %get3A_0 = arith.constant 0 : index
    %get3A_1 = vector.load %arg1[%get3A, %get3A_0] : memref<1000x128xf32, #tpu.memory_space<vmem>>, vector<1000x128xf32>
    %get3A_2 = arith.constant 0 : index
    %get3A_3 = arith.constant 0 : index
    %get3A_4 = vector.load %arg2[%get3A_2, %get3A_3] : memref<1000x128xf32, #tpu.memory_space<vmem>>, vector<1000x128xf32>
    %add3A = arith.addf %get3A_1, %get3A_4 : vector<1000x128xf32>
    %get3A_5 = arith.constant 0 : index
    %get3A_6 = arith.constant 0 : index
    %get3A_7 = vector.load %arg3[%get3A_5, %get3A_6] : memref<1000x128xf32, #tpu.memory_space<vmem>>, vector<1000x128xf32>
    %add3A_8 = arith.addf %add3A, %get3A_7 : vector<1000x128xf32>
    %max3A = arith.constant 0.000000e+00 : f32
    %max3A_9 = vector.broadcast %max3A : f32 to vector<1000x128xf32>
    %max3A_10 = arith.maximumf %add3A_8, %max3A_9 : vector<1000x128xf32>
    %get3A_11 = arith.constant 0 : index
    %get3A_12 = arith.constant 0 : index
    %get3A_13 = arith.constant 0 : index
    %get3A_14 = vector.load %arg4[%get3A_11, %get3A_12, %get3A_13] : memref<1x1x1000xi32, #tpu.memory_space<vmem>>, vector<1x1x1000xi32>
    %get3A_15 = vector.shape_cast %get3A_14 : vector<1x1x1000xi32> to vector<1x1000xi32>
    %iota3A = tpu.iota {dimensions = array<i32: 0>} : vector<64x1000xi32>
    %eq3A = vector.broadcast %get3A_15 : vector<1x1000xi32> to vector<64x1000xi32>
    %eq3A_16 = arith.cmpi eq, %eq3A, %iota3A : vector<64x1000xi32>
    %jit3A = arith.constant 1.000000e+00 : f32
    %jit3A_17 = arith.constant 0.000000e+00 : f32
    %broadcast_in_dim3A = vector.broadcast %jit3A : f32 to vector<64x1000xf32>
    %broadcast_in_dim3A_18 = vector.broadcast %jit3A_17 : f32 to vector<64x1000xf32>
    %select_n3A = arith.select %eq3A_16, %broadcast_in_dim3A, %broadcast_in_dim3A_18 : vector<64x1000xi1>, vector<64x1000xf32>
    %dot_general3A = arith.constant dense<0.000000e+00> : vector<64x128xf32>
    %dot_general3A_19 = tpu.matmul %select_n3A, %max3A_10, %dot_general3A {dimension_numbers = #tpu.dot_dimension_numbers<[1], [0], [0], [1], [0, 0, 1, 1], [], []>, transpose_lhs_hint = false} : vector<64x1000xf32>, vector<1000x128xf32>, vector<64x128xf32> -> vector<64x128xf32>
    %eq3A_20 = arith.constant 0 : i32
    %eq3A_21 = arith.cmpi eq, %arg0, %eq3A_20 : i32
    %convert_element_type3A = arith.extui %eq3A_21 : i1 to i32
    %cond3A = arith.constant 0 : i32
    %cond3A_22 = arith.cmpi ne, %convert_element_type3A, %cond3A : i32
    scf.if %cond3A_22 {
      %swap3A = arith.constant 0 : index
      %swap3A_27 = arith.constant 0 : index
      %swap3A_28 = vector.load %arg5[%swap3A, %swap3A_27] : memref<64x128xf32, #tpu.memory_space<vmem>>, vector<64x128xf32>
      tpu.vector_store %arg5[%swap3A, %swap3A_27], %dot_general3A_19 {strides = array<i32>} : memref<64x128xf32, #tpu.memory_space<vmem>>, vector<64x128xf32>,
    } else {
    }
    %gt3A = arith.constant 0 : i32
    %gt3A_23 = arith.cmpi sgt, %arg0, %gt3A : i32
    %convert_element_type3A_24 = arith.extui %gt3A_23 : i1 to i32
    %cond3A_25 = arith.constant 0 : i32
    %cond3A_26 = arith.cmpi ne, %convert_element_type3A_24, %cond3A_25 : i32
    scf.if %cond3A_26 {
      %get3A_27 = arith.constant 0 : index
      %get3A_28 = arith.constant 0 : index
      %get3A_29 = vector.load %arg5[%get3A_27, %get3A_28] : memref<64x128xf32, #tpu.memory_space<vmem>>, vector<64x128xf32>
      %add3A_30 = arith.addf %get3A_29, %dot_general3A_19 : vector<64x128xf32>
      %swap3A = arith.constant 0 : index
      %swap3A_31 = arith.constant 0 : index
      %swap3A_32 = vector.load %arg5[%swap3A, %swap3A_31] : memref<64x128xf32, #tpu.memory_space<vmem>>, vector<64x128xf32>
      tpu.vector_store %arg5[%swap3A, %swap3A_31], %add3A_30 {strides = array<i32>} : memref<64x128xf32, #tpu.memory_space<vmem>>, vector<64x128xf32>,
    } else {
    }
    return
  }
  func.func @transform_0(%arg0: i32) -> (i32, i32) {
    %c0_i32 = arith.constant 0 : i32
    %c0_i32_0 = arith.constant 0 : i32
    return %arg0, %c0_i32 : i32, i32
  }
  func.func @transform_1(%arg0: i32) -> (i32, i32) {
    %c0_i32 = arith.constant 0 : i32
    %c0_i32_0 = arith.constant 0 : i32
    return %arg0, %c0_i32 : i32, i32
  }
  func.func @transform_2(%arg0: i32) -> (i32, i32) {
    %c0_i32 = arith.constant 0 : i32
    %c0_i32_0 = arith.constant 0 : i32
    return %arg0, %c0_i32 : i32, i32
  }
  func.func @transform_3(%arg0: i32) -> (i32, i32, i32) {
    %c0_i32 = arith.constant 0 : i32
    %c0_i32_0 = arith.constant 0 : i32
    %c0_i32_1 = arith.constant 0 : i32
    return %arg0, %c0_i32, %c0_i32_0 : i32, i32, i32
  }
  func.func @transform_4(%arg0: i32) -> (i32, i32) {
    %c0_i32 = arith.constant 0 : i32
    %c0_i32_0 = arith.constant 0 : i32
    %c0_i32_1 = arith.constant 0 : i32
    return %c0_i32, %c0_i32_0 : i32, i32
  }
}

</mosaic_0001>

<sc_bundles>
// kernel: kernel.10.cloned.1.call-start
scs
__scs_entry_jumppad:
0x0: {  	(pc) =	sbr.rel $0x88, $3  }
0x1: {  	(tag) =	ssettag $0x0;
	lr =	simm.s32 $0x1  }
0x2: {  	[smem:$0x3F98] =	sst lr;
	_ =	strace $0xD0000000  }
0x3: {  	_ = 	snop  }
0x4: {  	_ = 	snop  }
0x5: {  	_ = 	snop  }
0x6: {  	_ = 	snop  }
0x7: {  	_ = 	snop  }
__scs_overlays_trampoline_lowered:
0x8: {  	[smem:$0x3FA7] =	sst s0  }
0x9: {  	[smem:$0x3FA8] =	sst s1  }
0xa: {  	[smem:$0x3FA9] =	sst s2  }
0xb: {  	[smem:$0x3FAA] =	sst s3  }
0xc: {  	[smem:$0x3FAB] =	sst s4  }
0xd: {  	[smem:$0x3FAC] =	sst s5  }
0xe: {  	[smem:$0x3FAD] =	sst s6  }
0xf: {  	[smem:$0x3FAE] =	sst s7  }
0x10: {  	[smem:$0x3FAF] =	sst s8  }
0x11: {  	[smem:$0x3FB0] =	sst s9;
	s0 =	simm.s32 @!p0 $0x0  }
0x12: {  	s1 =	sld [smem:$0x3F96];
	s0 =	simm.s32 @p0 $0x1  }
0x13: {  	[smem:$0x3FB1] =	sst s0;
	s0 =	simm.s32 @!p1 $0x0  }
0x14: {  	s2 =	sld [smem:$0x3F95];
	s0 =	simm.s32 @p1 $0x1  }
0x15: {  	[smem:$0x3FB2] =	sst s0;
	s0 =	simm.s32 @!p2 $0x0  }
0x16: {  	s3 =	sld [smem:$0x3FDB];
	s0 =	simm.s32 @p2 $0x1  }
0x17: {  	s4 =	simm.s32 $0x1BF5;
	[smem:$0x3FB4] =	sst s0  }
0x18: {  	s0 =	sld [smem:$0x3F97];
	_ =	swait.ge [sflag:s4], $0x0  }
0x19: {  	s7 =	sld [smem:$0x3F98]  }
0x1a: {  	s8 =	sadd.s32 $0xFFFFE003, lr  }
0x1b: {  	s9 =	sadd.s32 $0xFFFFFEF7, lr;
	s5 =	simm.s32 $0xFFFFFFFF;
	p2 =	slt.u32 s8, $0xFFFFF086  }
0x1c: {  	p1 =	slt.u32 s9, $0xF7A;
	s5 =	simm.s32 @!p2 $0x0  }
0x1d: {  	s5 =	simm.s32 @p1 $0x1;
	p0 =	seq.s32 s7, s2  }
0x1e: {  	s7 =	smul.u32 @!p0 $0xF7A, s2;
	p2 =	seq.s32 @!p0 s5, $0x0  }
0x1f: {  	s9 =	smul.u32 $0xF7A, s1;
	s8 =	simm.s32 @!p0 $0x1BF5;
	p2 =	por !p2, p0  }
0x20: {  	[sflag:s8] =	ssyncset.s32 @!p0 $0xFFFFF086;
	s6 =	sadd.s32 @!p0 s3, s7;
	s7 =	simm.s32 @!p0 $0x108  }
0x21: {  	s3 =	sadd.s32 s3, s9;
	s6 =	sadd.s32 @!p0 $0x88, s6;
	s7 =	simm.s32 @p2 $0x1082  }
0x22: {  	[simem:s7], [sflag:s8] =	dma.local @!p0 [hbm:s6], $0xF7A  }
0x23: {  	s9 =	sor.u32 $0xD0000000, s2;
	s6 =	simm.s32 $0x108;
	_ =	swait.ge @!p0 [sflag:s8], $0x0  }
0x24: {  	s3 =	sadd.s32 $0x88, s3;
	s6 =	simm.s32 @!p1 $0x1082;
	[sflag:s4] =	ssyncset.s32 $0xFFFFF086  }
0x25: {  	[simem:s6], [sflag:s4] =	dma.local [hbm:s3], $0xF7A  }
0x26: {  	[smem:$0x3F98] =	sst s1;
	(tag) =	ssettag s2;
	_ =	strace s9  }
0x27: {  	s1 =	sld [smem:$0x3FA8]  }
0x28: {  	s2 =	sld [smem:$0x3FA9]  }
0x29: {  	s4 =	sld [smem:$0x3FAB]  }
0x2a: {  	p0 =	seq.s32 s5, $0x0;
	s5 =	sld [smem:$0x3FAC]  }
0x2b: {  	s6 =	sld [smem:$0x3FAD]  }
0x2c: {  	s7 =	sld [smem:$0x3FAE]  }
0x2d: {  	s3 =	simm.s32 $0x108;
	s8 =	sld [smem:$0x3FAF]  }
0x2e: {  	s3 =	simm.s32 @!p0 $0x1082;
	s9 =	sld [smem:$0x3FB0]  }
0x2f: {  	lr =	sadd.s32 s0, s3;
	s0 =	sld [smem:$0x3FA7]  }
0x30: {  	s3 =	sld [smem:$0x3FAA]  }
0x31: {  	[smem:$0x3FB3] =	sst s10  }
0x32: {  	s10 =	sld [smem:$0x3FB1];
	_ =	sdelay $0x3  }
0x33: {  	p0 =	seq.s32 s10, $0x1;
	s10 =	sld [smem:$0x3FB3];
	_ =	sdelay $0x3  }
0x34: {  	[smem:$0x3FB3] =	sst s10  }
0x35: {  	s10 =	sld [smem:$0x3FB2];
	_ =	sdelay $0x3  }
0x36: {  	p1 =	seq.s32 s10, $0x1;
	s10 =	sld [smem:$0x3FB3];
	_ =	sdelay $0x3  }
0x37: {  	[smem:$0x3FB3] =	sst s10  }
0x38: {  	s10 =	sld [smem:$0x3FB4]  }
0x39: {  	_ = 	snop;
	(pc) =	sbr.ind lr, $3  }
0x3a: {  	_ = 	snop  }
0x3b: {  	_ = 	snop  }
0x3c: {  	p2 =	seq.s32 s10, $0x1;
	s10 =	sld [smem:$0x3FB3]  }
0x3d: {  	_ =	shalt  }
0x3e: {  	_ =	shalt  }
0x3f: {  	_ =	shalt  }
0x40: {  	_ =	shalt  }
0x41: {  	_ =	shalt  }
0x42: {  	_ =	shalt  }
0x43: {  	_ =	shalt  }
0x44: {  	_ =	shalt  }
0x45: {  	_ =	shalt  }
0x46: {  	_ =	shalt  }
0x47: {  	_ =	shalt  }
0x48: {  	_ =	shalt  }
0x49: {  	_ =	shalt  }
0x4a: {  	_ =	shalt  }
0x4b: {  	_ =	shalt  }
0x4c: {  	_ =	shalt  }
0x4d: {  	_ =	shalt  }
0x4e: {  	_ =	shalt  }
0x4f: {  	_ =	shalt  }
0x50: {  	_ =	shalt  }
0x51: {  	_ =	shalt  }
0x52: {  	_ =	shalt  }
0x53: {  	_ =	shalt  }
0x54: {  	_ =	shalt  }
0x55: {  	_ =	shalt  }
0x56: {  	_ =	shalt  }
0x57: {  	_ =	shalt  }
0x58: {  	_ =	shalt  }
0x59: {  	_ =	shalt  }
0x5a: {  	_ =	shalt  }
0x5b: {  	_ =	shalt  }
0x5c: {  	_ =	shalt  }
0x5d: {  	_ =	shalt  }
0x5e: {  	_ =	shalt  }
0x5f: {  	_ =	shalt  }
0x60: {  	_ =	shalt  }
0x61: {  	_ =	shalt  }
0x62: {  	_ =	shalt  }
0x63: {  	_ =	shalt  }
0x64: {  	_ =	shalt  }
0x65: {  	_ =	shalt  }
0x66: {  	_ =	shalt  }
0x67: {  	_ =	shalt  }
0x68: {  	_ =	shalt  }
0x69: {  	_ =	shalt  }
0x6a: {  	_ =	shalt  }
0x6b: {  	_ =	shalt  }
0x6c: {  	_ =	shalt  }
0x6d: {  	_ =	shalt  }
0x6e: {  	_ =	shalt  }
0x6f: {  	_ =	shalt  }
0x70: {  	_ =	shalt  }
0x71: {  	_ =	shalt  }
0x72: {  	_ =	shalt  }
0x73: {  	_ =	shalt  }
0x74: {  	_ =	shalt  }
0x75: {  	_ =	shalt  }
0x76: {  	_ =	shalt  }
0x77: {  	_ =	shalt  }
0x78: {  	_ =	shalt  }
0x79: {  	_ =	shalt  }
0x7a: {  	_ =	shalt  }
0x7b: {  	_ =	shalt  }
0x7c: {  	_ =	shalt  }
0x7d: {  	_ =	shalt  }
0x7e: {  	_ =	shalt  }
0x7f: {  	_ =	shalt  }
0x80: {  	_ =	shalt  }
0x81: {  	_ =	shalt  }
0x82: {  	_ =	shalt  }
0x83: {  	_ =	shalt  }
0x84: {  	_ =	shalt  }
0x85: {  	_ =	shalt  }
0x86: {  	_ =	shalt  }
0x87: {  	_ =	shalt  }
.Lfunc_end0:
.L_simem_size_0:
called_computation.1_lowered:
.L_overlay_start_0:
0x88: {  	s2 =	sld [smem:$0x3FD9]  }
0x89: {  	s3 =	sld [smem:$0x3FFE];
	_ =	sdelay $0x1  }
0x8a: {  	s1 =	srdreg.scid  }
0x8b: {  	s0 =	sand.u32 $0x1, s1  }
0x8c: {  	s16 =	sshll.u32 s0, $0xA;
	s2 =	sadd.s32 s3, s2  }
0x8d: {  	s2 =	sadd.s32 s2, s16  }
0x8e: {  	[smem:$0x3FBF] =	sst s2  }
0x8f: {  	_ = 	snop  }
0x90: {  	(tm) =	ssettm $0x1  }
0x91: {  	s17 =	sld [smem:$0x3FFB];
	_ =	sdelay $0x3  }
0x92: {  	_ =	strace s17  }
0x93: {  	s2 =	sld [smem:$0x3FFC];
	_ =	sdelay $0x3  }
0x94: {  	_ =	strace s2  }
0x95: {  	s2 =	sld [smem:$0x3FFD];
	_ =	sdelay $0x3  }
0x96: {  	_ =	strace s2  }
0x97: {  	_ =	strace $0x8FFFFFFF  }
0x98: {  	s18 =	sld [smem:$0x3FDB];
	_ =	sdelay $0x1  }
0x99: {  	s19 =	simm.s32 $_scs_section_size  }
0x9a: {  	s4 =	simm.s32 $_size__tile_overlayer_lowered;
	s5 =	simm.s32 $_tile_overlayer_lowered  }
0x9b: {  	s22 =	simm.s32 $0x1BFF;
	s21 =	sshll.u32 s5, $0x1;
	s2 =	sadd.s32 s19, s18  }
0x9c: {  	s6 =	simm.s32 $0x0;
	s20 =	sshll.u32 s4, $0x1;
	s4 =	sadd.s32 s21, s2  }
0x9d: {  	[timem:s6], [sflag:s22] =	dma.local [hbm:s4], s20  }
0x9e: {  	_ =	swait.ge [sflag:s22], s20  }
0x9f: {  	s3 =	ssub.s32 $0x0, s20;
	[sflag:s22] =	ssyncset.done $0x0  }
0xa0: {  	[sflag:s22] =	ssyncadd.s32 s3;
	_ =	sdelay $0x1  }
0xa1: {  	s23 =	simm.s32 $0x1B8B  }
0xa2: {  	_ =	swait.ge [sflag:s23], $0x1  }
0xa3: {  	[sflag:s23] =	ssyncset.done $0x0  }
0xa4: {  	s25 =	simm.s32 $0x1B8E;
	s24 =	sld [smem:$0x3FFE];
	[sflag:s23] =	ssyncadd.s32 $0xFFFFFFFF  }
0xa5: {  	s26 =	simm.s32 $execute0_lowered;
	[smem:$0x3FD2] =	sst s25  }
0xa6: {  	s4 =	sshll.u32 s26, $0x1;
	_ =	strace $0x80000049;
	[dreg:$0x1] =	wrdreg $0xFFFFFFFF  }
0xa7: {  	s28 =	simm.s32 $_size_execute0_lowered;
	s2 =	sadd.s32 s2, s4;
	[dreg:$0x0] =	wrdreg $0x0  }
0xa8: {  	s4 =	sshll.u32 s28, $0x1;
	[dreg:$0x2] =	wrdreg s2  }
0xa9: {  	[dreg:$0x3] =	wrdreg s4  }
0xaa: {  	[dreg:$0x4] =	wrdreg $0xC0  }
0xab: {  	_ =	task [dreg:s6], $0x5FFFF  }
0xac: {  	[dreg:$0x1] =	wrdreg $0xFFFFFFFF  }
0xad: {  	[dreg:$0x0] =	wrdreg $0x60  }
0xae: {  	[dreg:$0x2] =	wrdreg s24  }
0xaf: {  	[dreg:$0x3] =	wrdreg $0xB3000  }
0xb0: {  	[dreg:$0x4] =	wrdreg $0x9  }
0xb1: {  	_ =	task.clear_ibuf [dreg:s6], $0x5FFFF;
	_ =	strace $0x90000049  }
0xb2: {  	s29 =	simm.s32 $0x9;
	_ =	strace $0x8000004B  }
0xb3: {  	_ =	swait.ge [sflag:s29], $0x1  }
0xb4: {  	[sflag:s29] =	ssyncadd.s32 $0xFFFFFFFF  }
0xb5: {  	_ =	strace $0x9000004B  }
0xb6: {  	_ =	sfence  }
0xb7: {  	s30 =	sld [smem:$0x0];
	_ =	sdelay $0x2  }
0xb8: {  	s31 =	sshll.u32 s1, $0xD;
	s1 =	sshrl.u32 s1, $0x2  }
0xb9: {  	s3 =	sand.u32 $0x4000, s31;
	s1 =	sadd.s32 s1, s30  }
0xba: {  	s0 =	sor.u32 s3, s0;
	s1 =	sshll.u32 s1, $0x11  }
0xbb: {  	s0 =	sor.u32 s1, s0  }
0xbc: {  	s0 =	sadd.s32 $0x8F2B, s0  }
0xbd: {  	[sflag:s0] =	ssyncadd.remote.s32 $0x1  }
0xbe: {  	_ =	sfence.sel $0xFFFF  }
0xbf: {  	[dreg:$0x0] =	wrdreg $0xFFFFFFFF;
	(pc) =	sbr.abs _section_cstart, $3  }
0xc0: {  	[dreg:$0x1] =	wrdreg $0xFFFFFFFF  }
0xc1: {  	_ =	task.clear_ibuf [dreg:s6], $0x2FFFF;
	_ =	strace $0x9FFFFFFF  }
0xc2: {  	(tm) =	ssettm $0x7FFFFFFF  }
0xc3: {  	_ =	shalt  }
tec
execute0_lowered:
.L_overlay_start_1:
0x0: {  	(tag) =	ssettag $0x1  }
0x1: {  	s0 =	srdreg.scid  }
0x2: {  	s1 =	rddreg [dreg:$0x0];
	s10 =	stileid.u32  }
0x3: {  	s2 =	rddreg [dreg:$0x1];
	s13 =	simm.s32 $0x3;
	s14 =	simm.s32 $0x2780  }
0x4: {  	s15 =	simm.s32 $0x4F00;
	s16 =	simm.s32 $0x28;
	s17 =	simm.s32 $0x6300  }
0x5: {  	s19 =	simm.s32 $0x7700;
	s21 =	simm.s32 $0x8B00;
	s22 =	simm.s32 $0x1  }
0x6: {  	s24 =	simm.s32 $0x9F00;
	s26 =	simm.s32 $0x2;
	s30 =	simm.s32 $0xF0  }
0x7: {  	s31 =	simm.s32 $0x27F8;
	s18 =	simm.s32 $0x2820;
	s20 =	simm.s32 $0x26E8  }
0x8: {  	s23 =	simm.s32 $0x0;
	s0 =	sand.u32 $0x1, s0;
	s7 =	smul.u32 $0x50000, s10  }
0x9: {  	s12 =	smul.u32 $0x2800, s10;
	s3 =	sshll.u32 s0, $0x4;
	s6 =	ssub.s32 $0x2, s0  }
0xa: {  	p0 =	seq.s32 s0, $0x1;
	s0 =	simm.s32 $0x65200;
	s4 =	sor.u32 s10, s3  }
0xb: {  	s3 =	simm.s32 $0x0;
	s8 =	sshrl.u32 s6, $0x1;
	s7 =	sshrl.u32 s7, $0x2  }
0xc: {  	s0 =	simm.s32 @!p0 $0x3D200;
	s5 =	smul.u32 $0x4E2, s4;
	[smem:$0x7FF] =	sst s3  }
0xd: {  	s4 =	sadd.s32 $0x16000, s1;
	s11 =	ssub.s32 s6, s8;
	s7 =	sadd.s32 s7, s2  }
0xe: {  	s0 =	sadd.s32 s0, s1;
	_ =	strace $0x8000004A;
	s8 =	sadd.s32 $0x5000, s7  }
0xf: {  	s10 =	sadd.s32 $0xF000, s7;
	s11 =	smax.u32 s11, $0x1;
	s12 =	sadd.s32 s0, s12  }
0x10: {  	s0 =	simm.s32 $0x4E68;
	s9 =	sadd.s32 s5, s1;
	s1 =	simm.s32 $0x118  }
0x11: {  	v0 =	vimm.f32 $0.0e+00;
	s5 =	sadd.s32 $0xC200, s9;
	s6 =	sadd.s32 $0x2400, s9;
	s9 =	sadd.s32 $0xA000, s7  }
.LBB2_1:
0x12: {  	[tilespmem:s3], [sflag:$0x3] =	stream.linear.gather [hbm4b:s5+s3], $0x2710, $0x38;
	[tilespmem:$0x1F300] =	vst v63  }
0x13: {  	_ =	swait.ge [sflag:s13], $0x2710  }
0x14: {  	[sflag:s13] =	ssyncset.done $0x0  }
0x15: {  	[sflag:s13] =	ssyncadd.s32 $0xFFFFD8F0  }
0x16: {  	[tilespmem:s14], [sflag:$0x3] =	stream.linear.gather [hbm4b:s6+s3], $0x2710, $0x38;
	[tilespmem:$0x1F300] =	vst v63  }
0x17: {  	_ =	swait.ge [sflag:s13], $0x2710  }
0x18: {  	[sflag:s13] =	ssyncset.done $0x0  }
0x19: {  	s25 =	simm.s32 $0x0;
	s28 =	simm.s32 $0x200;
	[sflag:s13] =	ssyncadd.s32 $0xFFFFD8F0  }
.LBB2_2:
0x1a: {  	p0 =	sne.s32 s28, $0x13E00;
	[tilespmem:s25+$0x4F70] =	vst v0  }
0x1b: {  	[tilespmem:s25+$0x4F00] =	vst v0  }
0x1c: {  	[tilespmem:s25+$0x4F10] =	vst v0  }
.Ltmp0:
0x1d: {  	[tilespmem:s25+$0x4F20] =	vst v0;
	(pc) =	sbr.rel @p0 .LBB2_2-.Ltmp0, $4  }
0x1e: {  	[tilespmem:s25+$0x4F30] =	vst v0  }
0x1f: {  	[tilespmem:s25+$0x4F40] =	vst v0  }
0x20: {  	[tilespmem:s25+$0x4F50] =	vst v0  }
0x21: {  	[tilespmem:s25+$0x4F60] =	vst v0;
	s25 =	sshra.s32 s28, $0x2;
	s28 =	sadd.s32 $0x200, s28  }
0x22: {  	[tilespmem:s25+$0x4F70] =	vst v0  }
0x23: {  	[tilespmem:s25+$0x4F00] =	vst v0  }
0x24: {  	[tilespmem:s25+$0x4F10] =	vst v0  }
0x25: {  	[tilespmem:s25+$0x4F20] =	vst v0  }
0x26: {  	[tilespmem:s25+$0x4F30] =	vst v0  }
0x27: {  	[tilespmem:s25+$0x4F40] =	vst v0  }
0x28: {  	[tilespmem:s25+$0x4F50] =	vst v0  }
0x29: {  	[tilespmem:s25+$0x4F60] =	vst v0  }
0x2a: {  	[spmem:s7] =	stream.linear.scatter [tilespmem:s15], [sflag:$0x3], $0x5000, $0x38;
	[tilespmem:$0x1F300] =	vst v63  }
0x2b: {  	_ =	swait.ge [sflag:s13], $0x5000  }
0x2c: {  	[sflag:s13] =	ssyncset.done $0x0  }
0x2d: {  	[sflag:s13] =	ssyncadd.s32 $0xFFFFB000  }
0x2e: {  	[spmem:s8] =	stream.linear.scatter [tilespmem:s15], [sflag:$0x3], $0x5000, $0x38;
	[tilespmem:$0x1F300] =	vst v63  }
0x2f: {  	_ =	swait.ge [sflag:s13], $0x5000  }
0x30: {  	[sflag:s13] =	ssyncset.done $0x0  }
0x31: {  	[sflag:s13] =	ssyncadd.s32 $0xFFFFB000  }
0x32: {  	[spmem:s9] =	stream.linear.scatter [tilespmem:s15], [sflag:$0x3], $0x5000, $0x38;
	[tilespmem:$0x1F300] =	vst v63  }
0x33: {  	_ =	swait.ge [sflag:s13], $0x5000  }
0x34: {  	[sflag:s13] =	ssyncset.done $0x0  }
0x35: {  	[sflag:s13] =	ssyncadd.s32 $0xFFFFB000  }
0x36: {  	[spmem:s10] =	stream.linear.scatter [tilespmem:s15], [sflag:$0x3], $0x5000, $0x38;
	[tilespmem:$0x1F300] =	vst v63  }
0x37: {  	_ =	swait.ge [sflag:s13], $0x5000  }
0x38: {  	[sflag:s13] =	ssyncset.done $0x0  }
0x39: {  	[sflag:s13] =	ssyncadd.s32 $0xFFFFB000  }
0x3a: {  	s29 =	simm.s32 $0x0;
	[bflag:$0x0] =	sbarrier.arrive $0xFFFF  }
0x3b: {  	[tilespmem:s15], [sflag:$0x1] =	stream.indirect.gather [hbm4b:s4+s16], $0x80, s29, s16, $0xb8;
	[tilespmem:$0x1F300] =	vst v63  }
0x3c: {  	_ = 	snop  }
0x3d: {  	[tilespmem:s17], [sflag:$0x1] =	stream.indirect.gather [hbm4b:s4+s16], $0x80, s16, s16, $0xb8;
	[tilespmem:$0x1F300] =	vst v63  }
0x3e: {  	s29 =	simm.s32 $0x50  }
0x3f: {  	[tilespmem:s19], [sflag:$0x1] =	stream.indirect.gather [hbm4b:s4+s16], $0x80, s29, s16, $0xb8;
	[tilespmem:$0x1F300] =	vst v63  }
0x40: {  	s29 =	simm.s32 $0x78  }
0x41: {  	[tilespmem:s21], [sflag:$0x1] =	stream.indirect.gather [hbm4b:s4+s16], $0x80, s29, s16, $0xb8;
	[tilespmem:$0x1F300] =	vst v63  }
0x42: {  	_ =	swait.ge [sflag:s22], $0x1400  }
0x43: {  	[sflag:s22] =	ssyncset.done $0x0  }
0x44: {  	[sflag:s22] =	ssyncadd.s32 $0xFFFFEC00  }
0x45: {  	[spmem:s2] =	stream.indirect.scatter.add.f32 [tilespmem:s15], [sflag:$0x2], $0x80, s14, s16, $0xb8;
	[tilespmem:$0x1F300] =	vst v63  }
0x46: {  	s29 =	simm.s32 $0xA0  }
0x47: {  	[tilespmem:s24], [sflag:$0x1] =	stream.indirect.gather [hbm4b:s4+s16], $0x80, s29, s16, $0xb8;
	[tilespmem:$0x1F300] =	vst v63  }
0x48: {  	_ =	swait.ge [sflag:s22], $0x1400  }
0x49: {  	[sflag:s22] =	ssyncset.done $0x0  }
0x4a: {  	s29 =	simm.s32 $0x27A8;
	[sflag:s22] =	ssyncadd.s32 $0xFFFFEC00  }
0x4b: {  	[spmem:s2] =	stream.indirect.scatter.add.f32 [tilespmem:s17], [sflag:$0x2], $0x80, s29, s16, $0xb8;
	[tilespmem:$0x1F300] =	vst v63  }
0x4c: {  	_ =	swait.ge [sflag:s26], $0x1400  }
0x4d: {  	[sflag:s26] =	ssyncset.done $0x0  }
0x4e: {  	s29 =	simm.s32 $0xC8;
	[sflag:s26] =	ssyncadd.s32 $0xFFFFEC00  }
0x4f: {  	[tilespmem:s15], [sflag:$0x1] =	stream.indirect.gather [hbm4b:s4+s16], $0x80, s29, s16, $0xb8;
	[tilespmem:$0x1F300] =	vst v63  }
0x50: {  	_ =	swait.ge [sflag:s22], $0x1400  }
0x51: {  	[sflag:s22] =	ssyncset.done $0x0  }
0x52: {  	s29 =	simm.s32 $0x27D0;
	[sflag:s22] =	ssyncadd.s32 $0xFFFFEC00  }
0x53: {  	[spmem:s2] =	stream.indirect.scatter.add.f32 [tilespmem:s19], [sflag:$0x2], $0x80, s29, s16, $0xb8;
	[tilespmem:$0x1F300] =	vst v63  }
0x54: {  	_ =	swait.ge [sflag:s26], $0x1400  }
0x55: {  	[sflag:s26] =	ssyncset.done $0x0  }
0x56: {  	[sflag:s26] =	ssyncadd.s32 $0xFFFFEC00  }
0x57: {  	[tilespmem:s17], [sflag:$0x1] =	stream.indirect.gather [hbm4b:s4+s16], $0x80, s30, s16, $0xb8;
	[tilespmem:$0x1F300] =	vst v63  }
0x58: {  	_ =	swait.ge [sflag:s22], $0x1400  }
0x59: {  	[sflag:s22] =	ssyncset.done $0x0  }
0x5a: {  	[sflag:s22] =	ssyncadd.s32 $0xFFFFEC00  }
0x5b: {  	[spmem:s2] =	stream.indirect.scatter.add.f32 [tilespmem:s21], [sflag:$0x2], $0x80, s31, s16, $0xb8;
	[tilespmem:$0x1F300] =	vst v63  }
0x5c: {  	_ =	swait.ge [sflag:s26], $0x1400  }
0x5d: {  	[sflag:s26] =	ssyncset.done $0x0  }
0x5e: {  	[sflag:s26] =	ssyncadd.s32 $0xFFFFEC00  }
0x5f: {  	[tilespmem:s19], [sflag:$0x1] =	stream.indirect.gather [hbm4b:s4+s16], $0x80, s1, s16, $0xb8;
	[tilespmem:$0x1F300] =	vst v63  }
0x60: {  	_ =	swait.ge [sflag:s22], $0x1400  }
0x61: {  	[sflag:s22] =	ssyncset.done $0x0  }
0x62: {  	[sflag:s22] =	ssyncadd.s32 $0xFFFFEC00  }
0x63: {  	[spmem:s2] =	stream.indirect.scatter.add.f32 [tilespmem:s24], [sflag:$0x2], $0x80, s18, s16, $0xb8;
	[tilespmem:$0x1F300] =	vst v63  }
0x64: {  	_ =	swait.ge [sflag:s26], $0x1400  }
0x65: {  	[sflag:s26] =	ssyncset.done $0x0  }
0x66: {  	s29 =	simm.s32 $0x140;
	[sflag:s26] =	ssyncadd.s32 $0xFFFFEC00  }
0x67: {  	[tilespmem:s21], [sflag:$0x1] =	stream.indirect.gather [hbm4b:s4+s16], $0x80, s29, s16, $0xb8;
	[tilespmem:$0x1F300] =	vst v63  }
0x68: {  	_ =	swait.ge [sflag:s22], $0x1400  }
0x69: {  	[sflag:s22] =	ssyncset.done $0x0  }
0x6a: {  	s29 =	simm.s32 $0x2848;
	[sflag:s22] =	ssyncadd.s32 $0xFFFFEC00  }
0x6b: {  	[spmem:s2] =	stream.indirect.scatter.add.f32 [tilespmem:s15], [sflag:$0x2], $0x80, s29, s16, $0xb8;
	[tilespmem:$0x1F300] =	vst v63  }
0x6c: {  	_ =	swait.ge [sflag:s26], $0x1400  }
0x6d: {  	[sflag:s26] =	ssyncset.done $0x0  }
0x6e: {  	s29 =	simm.s32 $0x168;
	[sflag:s26] =	ssyncadd.s32 $0xFFFFEC00  }
0x6f: {  	[tilespmem:s24], [sflag:$0x1] =	stream.indirect.gather [hbm4b:s4+s16], $0x80, s29, s16, $0xb8;
	[tilespmem:$0x1F300] =	vst v63  }
0x70: {  	_ =	swait.ge [sflag:s22], $0x1400  }
0x71: {  	[sflag:s22] =	ssyncset.done $0x0  }
0x72: {  	s29 =	simm.s32 $0x2870;
	[sflag:s22] =	ssyncadd.s32 $0xFFFFEC00  }
0x73: {  	[spmem:s2] =	stream.indirect.scatter.add.f32 [tilespmem:s17], [sflag:$0x2], $0x80, s29, s16, $0xb8;
	[tilespmem:$0x1F300] =	vst v63  }
0x74: {  	_ =	swait.ge [sflag:s26], $0x1400  }
0x75: {  	[sflag:s26] =	ssyncset.done $0x0  }
0x76: {  	s29 =	simm.s32 $0x190;
	[sflag:s26] =	ssyncadd.s32 $0xFFFFEC00  }
0x77: {  	[tilespmem:s15], [sflag:$0x1] =	stream.indirect.gather [hbm4b:s4+s16], $0x80, s29, s16, $0xb8;
	[tilespmem:$0x1F300] =	vst v63  }
0x78: {  	_ =	swait.ge [sflag:s22], $0x1400  }
0x79: {  	[sflag:s22] =	ssyncset.done $0x0  }
0x7a: {  	s29 =	simm.s32 $0x2898;
	[sflag:s22] =	ssyncadd.s32 $0xFFFFEC00  }
0x7b: {  	[spmem:s2] =	stream.indirect.scatter.add.f32 [tilespmem:s19], [sflag:$0x2], $0x80, s29, s16, $0xb8;
	[tilespmem:$0x1F300] =	vst v63  }
0x7c: {  	_ =	swait.ge [sflag:s26], $0x1400  }
0x7d: {  	[sflag:s26] =	ssyncset.done $0x0  }
0x7e: {  	s29 =	simm.s32 $0x1B8;
	[sflag:s26] =	ssyncadd.s32 $0xFFFFEC00  }
0x7f: {  	[tilespmem:s17], [sflag:$0x1] =	stream.indirect.gather [hbm4b:s4+s16], $0x80, s29, s16, $0xb8;
	[tilespmem:$0x1F300] =	vst v63  }
0x80: {  	_ =	swait.ge [sflag:s22], $0x1400  }
0x81: {  	[sflag:s22] =	ssyncset.done $0x0  }
0x82: {  	s29 =	simm.s32 $0x28C0;
	[sflag:s22] =	ssyncadd.s32 $0xFFFFEC00  }
0x83: {  	[spmem:s2] =	stream.indirect.scatter.add.f32 [tilespmem:s21], [sflag:$0x2], $0x80, s29, s16, $0xb8;
	[tilespmem:$0x1F300] =	vst v63  }
0x84: {  	_ =	swait.ge [sflag:s26], $0x1400  }
0x85: {  	[sflag:s26] =	ssyncset.done $0x0  }
0x86: {  	s29 =	simm.s32 $0x1E0;
	[sflag:s26] =	ssyncadd.s32 $0xFFFFEC00  }
0x87: {  	[tilespmem:s19], [sflag:$0x1] =	stream.indirect.gather [hbm4b:s4+s16], $0x80, s29, s16, $0xb8;
	[tilespmem:$0x1F300] =	vst v63  }
0x88: {  	_ =	swait.ge [sflag:s22], $0x1400  }
0x89: {  	[sflag:s22] =	ssyncset.done $0x0  }
0x8a: {  	s25 =	simm.s32 $0x320;
	s28 =	simm.s32 $0x28E8;
	[sflag:s22] =	ssyncadd.s32 $0xFFFFEC00  }
.LBB2_4:
0x8b: {  	[spmem:s2] =	stream.indirect.scatter.add.f32 [tilespmem:s24], [sflag:$0x2], $0x80, s28, s16, $0xb8;
	[tilespmem:$0x1F300] =	vst v63  }
0x8c: {  	s28 =	smov.u32 s25;
	s25 =	sadd.s32 $0x320, s25;
	_ =	swait.ge [sflag:s26], $0x1400  }
0x8d: {  	s28 =	sshra.s32 s28, $0x2;
	p0 =	sne.s32 s25, $0x9600;
	[sflag:s26] =	ssyncset.done $0x0  }
0x8e: {  	s29 =	sadd.s32 $0x140, s28;
	[sflag:s26] =	ssyncadd.s32 $0xFFFFEC00  }
0x8f: {  	[tilespmem:s21], [sflag:$0x1] =	stream.indirect.gather [hbm4b:s4+s16], $0x80, s29, s16, $0xb8;
	[tilespmem:$0x1F300] =	vst v63  }
0x90: {  	_ =	swait.ge [sflag:s22], $0x1400  }
0x91: {  	[sflag:s22] =	ssyncset.done $0x0  }
0x92: {  	s29 =	sadd.s32 $0x2848, s28;
	[sflag:s22] =	ssyncadd.s32 $0xFFFFEC00  }
0x93: {  	[spmem:s2] =	stream.indirect.scatter.add.f32 [tilespmem:s15], [sflag:$0x2], $0x80, s29, s16, $0xb8;
	[tilespmem:$0x1F300] =	vst v63  }
0x94: {  	_ =	swait.ge [sflag:s26], $0x1400  }
0x95: {  	[sflag:s26] =	ssyncset.done $0x0  }
0x96: {  	s29 =	sadd.s32 $0x168, s28;
	[sflag:s26] =	ssyncadd.s32 $0xFFFFEC00  }
0x97: {  	[tilespmem:s24], [sflag:$0x1] =	stream.indirect.gather [hbm4b:s4+s16], $0x80, s29, s16, $0xb8;
	[tilespmem:$0x1F300] =	vst v63  }
0x98: {  	_ =	swait.ge [sflag:s22], $0x1400  }
0x99: {  	[sflag:s22] =	ssyncset.done $0x0  }
0x9a: {  	s29 =	sadd.s32 $0x2870, s28;
	[sflag:s22] =	ssyncadd.s32 $0xFFFFEC00  }
0x9b: {  	[spmem:s2] =	stream.indirect.scatter.add.f32 [tilespmem:s17], [sflag:$0x2], $0x80, s29, s16, $0xb8;
	[tilespmem:$0x1F300] =	vst v63  }
0x9c: {  	_ =	swait.ge [sflag:s26], $0x1400  }
0x9d: {  	[sflag:s26] =	ssyncset.done $0x0  }
0x9e: {  	s29 =	sadd.s32 $0x190, s28;
	[sflag:s26] =	ssyncadd.s32 $0xFFFFEC00  }
0x9f: {  	[tilespmem:s15], [sflag:$0x1] =	stream.indirect.gather [hbm4b:s4+s16], $0x80, s29, s16, $0xb8;
	[tilespmem:$0x1F300] =	vst v63  }
0xa0: {  	_ =	swait.ge [sflag:s22], $0x1400  }
0xa1: {  	[sflag:s22] =	ssyncset.done $0x0  }
0xa2: {  	s29 =	sadd.s32 $0x2898, s28;
	[sflag:s22] =	ssyncadd.s32 $0xFFFFEC00  }
0xa3: {  	[spmem:s2] =	stream.indirect.scatter.add.f32 [tilespmem:s19], [sflag:$0x2], $0x80, s29, s16, $0xb8;
	[tilespmem:$0x1F300] =	vst v63  }
0xa4: {  	_ =	swait.ge [sflag:s26], $0x1400  }
0xa5: {  	[sflag:s26] =	ssyncset.done $0x0  }
0xa6: {  	s29 =	sadd.s32 $0x1B8, s28;
	[sflag:s26] =	ssyncadd.s32 $0xFFFFEC00  }
0xa7: {  	[tilespmem:s17], [sflag:$0x1] =	stream.indirect.gather [hbm4b:s4+s16], $0x80, s29, s16, $0xb8;
	[tilespmem:$0x1F300] =	vst v63  }
0xa8: {  	_ =	swait.ge [sflag:s22], $0x1400  }
0xa9: {  	[sflag:s22] =	ssyncset.done $0x0  }
0xaa: {  	s29 =	sadd.s32 $0x28C0, s28;
	[sflag:s22] =	ssyncadd.s32 $0xFFFFEC00  }
0xab: {  	[spmem:s2] =	stream.indirect.scatter.add.f32 [tilespmem:s21], [sflag:$0x2], $0x80, s29, s16, $0xb8;
	[tilespmem:$0x1F300] =	vst v63  }
0xac: {  	_ =	swait.ge [sflag:s26], $0x1400  }
0xad: {  	[sflag:s26] =	ssyncset.done $0x0  }
.Ltmp1:
0xae: {  	s29 =	sadd.s32 $0x1E0, s28;
	[sflag:s26] =	ssyncadd.s32 $0xFFFFEC00;
	(pc) =	sbr.rel @p0 .LBB2_4-.Ltmp1, $4  }
0xaf: {  	[tilespmem:s19], [sflag:$0x1] =	stream.indirect.gather [hbm4b:s4+s16], $0x80, s29, s16, $0xb8;
	[tilespmem:$0x1F300] =	vst v63  }
0xb0: {  	_ =	swait.ge [sflag:s22], $0x1400  }
0xb1: {  	[sflag:s22] =	ssyncset.done $0x0  }
0xb2: {  	s28 =	sadd.s32 $0x28E8, s28;
	[sflag:s22] =	ssyncadd.s32 $0xFFFFEC00  }
0xb3: {  	[spmem:s2] =	stream.indirect.scatter.add.f32 [tilespmem:s24], [sflag:$0x2], $0x80, s28, s16, $0xb8;
	[tilespmem:$0x1F300] =	vst v63  }
0xb4: {  	_ =	swait.ge [sflag:s26], $0x1400  }
0xb5: {  	s25 =	sshra.s32 s25, $0x2;
	[sflag:s26] =	ssyncset.done $0x0  }
0xb6: {  	s29 =	sadd.s32 $0x140, s25;
	[sflag:s26] =	ssyncadd.s32 $0xFFFFEC00  }
0xb7: {  	[tilespmem:s21], [sflag:$0x1] =	stream.indirect.gather [hbm4b:s4+s16], $0x80, s29, s16, $0xb8;
	[tilespmem:$0x1F300] =	vst v63  }
0xb8: {  	_ =	swait.ge [sflag:s22], $0x1400  }
0xb9: {  	[sflag:s22] =	ssyncset.done $0x0  }
0xba: {  	s29 =	sadd.s32 $0x2848, s25;
	[sflag:s22] =	ssyncadd.s32 $0xFFFFEC00  }
0xbb: {  	[spmem:s2] =	stream.indirect.scatter.add.f32 [tilespmem:s15], [sflag:$0x2], $0x80, s29, s16, $0xb8;
	[tilespmem:$0x1F300] =	vst v63  }
0xbc: {  	_ =	swait.ge [sflag:s26], $0x1400  }
0xbd: {  	[sflag:s26] =	ssyncset.done $0x0  }
0xbe: {  	[sflag:s26] =	ssyncadd.s32 $0xFFFFEC00  }
0xbf: {  	[tilespmem:s24], [sflag:$0x1] =	stream.indirect.gather [hbm4b:s4+s16], $0x80, s20, s16, $0xb8;
	[tilespmem:$0x1F300] =	vst v63  }
0xc0: {  	_ =	swait.ge [sflag:s22], $0x1400  }
0xc1: {  	[sflag:s22] =	ssyncset.done $0x0  }
0xc2: {  	s29 =	sadd.s32 $0x2870, s25;
	[sflag:s22] =	ssyncadd.s32 $0xFFFFEC00  }
0xc3: {  	[spmem:s2] =	stream.indirect.scatter.add.f32 [tilespmem:s17], [sflag:$0x2], $0x80, s29, s16, $0xb8;
	[tilespmem:$0x1F300] =	vst v63  }
0xc4: {  	_ =	swait.ge [sflag:s26], $0x1400  }
0xc5: {  	[sflag:s26] =	ssyncset.done $0x0  }
0xc6: {  	[sflag:s26] =	ssyncadd.s32 $0xFFFFEC00  }
0xc7: {  	_ =	swait.ge [sflag:s22], $0x1400  }
0xc8: {  	[sflag:s22] =	ssyncset.done $0x0  }
0xc9: {  	s29 =	sadd.s32 $0x2898, s25;
	[sflag:s22] =	ssyncadd.s32 $0xFFFFEC00  }
0xca: {  	[spmem:s2] =	stream.indirect.scatter.add.f32 [tilespmem:s19], [sflag:$0x2], $0x80, s29, s16, $0xb8;
	[tilespmem:$0x1F300] =	vst v63  }
0xcb: {  	_ =	swait.ge [sflag:s26], $0x1400  }
0xcc: {  	[sflag:s26] =	ssyncset.done $0x0  }
0xcd: {  	[sflag:s26] =	ssyncadd.s32 $0xFFFFEC00  }
0xce: {  	_ =	swait.ge [sflag:s22], $0x1400  }
0xcf: {  	[sflag:s22] =	ssyncset.done $0x0  }
0xd0: {  	s25 =	sadd.s32 $0x28C0, s25;
	[sflag:s22] =	ssyncadd.s32 $0xFFFFEC00  }
0xd1: {  	[spmem:s2] =	stream.indirect.scatter.add.f32 [tilespmem:s21], [sflag:$0x2], $0x80, s25, s16, $0xb8;
	[tilespmem:$0x1F300] =	vst v63  }
0xd2: {  	_ =	swait.ge [sflag:s26], $0x1400  }
0xd3: {  	[sflag:s26] =	ssyncset.done $0x0  }
0xd4: {  	[sflag:s26] =	ssyncadd.s32 $0xFFFFEC00  }
0xd5: {  	_ =	swait.ge [sflag:s22], $0x1400  }
0xd6: {  	[sflag:s22] =	ssyncset.done $0x0  }
0xd7: {  	[sflag:s22] =	ssyncadd.s32 $0xFFFFEC00  }
0xd8: {  	[spmem:s2] =	stream.indirect.scatter.add.f32 [tilespmem:s24], [sflag:$0x2], $0x80, s0, s16, $0xb8;
	[tilespmem:$0x1F300] =	vst v63  }
0xd9: {  	_ =	swait.ge [sflag:s26], $0x1400  }
0xda: {  	[sflag:s26] =	ssyncset.done $0x0  }
0xdb: {  	[sflag:s26] =	ssyncadd.s32 $0xFFFFEC00  }
0xdc: {  	s23 =	sadd.s32 $0x1, s23;
	_ =	swait.ge [sflag:s26], $0x1400  }
0xdd: {  	s28 =	stileid.u32;
	p0 =	sne.s32 s23, s11;
	[sflag:s26] =	ssyncset.done $0x0  }
0xde: {  	s29 =	sshrl.u32 s7, $0x3;
	s25 =	sshll.u32 s28, $0x6;
	[sflag:s26] =	ssyncadd.s32 $0xFFFFEC00  }
.Ltmp2:
0xdf: {  	s25 =	sor.u32 $0x1C03, s25;
	[bflag:$0x0] =	sbarrier.arrive $0xFFFF;
	(pc) =	sbr.rel @p0 .LBB2_1-.Ltmp2, $4  }
0xe0: {  	[hbm:s12], [sflag:s25] =	dma.local [spmem:s29], $0x2800  }
0xe1: {  	_ =	swait.ge [sflag:s13], $0x2800  }
0xe2: {  	[sflag:s13] =	ssyncset.done $0x0  }
0xe3: {  	[sflag:s13] =	ssyncadd.s32 $0xFFFFD800  }
0xe4: {  	_ =	sfence.sel $0x180000  }
0xe5: {  	[bflag:$0x0] =	sbarrier.arrive $0xFFFF  }
0xe6: {  	_ =	strace $0x9000004A  }
0xe7: {  	s0 =	stileid.u32;
	[bflag:$0x2] =	sbarrier.arrive $0xFFFF  }
0xe8: {  	p0 =	sne.s32 s0, $0x0;
	s0 =	rddreg [dreg:$0x2]  }
0xe9: {  	s0 =	sadd.s32 @!p0 $0x100000, s0  }
0xea: {  	[sflag:s0] =	ssyncadd.tile.s32 @!p0 $0x1;
	_ =	shalt  }
.Lfunc_end2:
_tile_overlayer_lowered:
.L_overlay_start_2:
0xeb: {  	(tag) =	ssettag $0x2  }
0xec: {  	s0 =	rddreg [dreg:$0x0];
	s2 =	stileid.u32  }
0xed: {  	s1 =	rddreg [dreg:$0x1];
	p0 =	sne.s32 s2, $0x0  }
0xee: {  	s3 =	rddreg [dreg:$0x2];
	[bflag:$0x3] =	sbarrier.arrive $0xFFFF;
	s2 =	simm.s32 @!p0 $0x1C03  }
0xef: {  	[timem:s3], [sflag:s2] =	dma.local @!p0 [hbm:s0], s1  }
0xf0: {  	s0 =	simm.s32 @!p0 $0x3  }
0xf1: {  	_ =	swait.ge @!p0 [sflag:s0], s1  }
0xf2: {  	s1 =	ssub.s32 @!p0 $0x0, s1;
	[sflag:s0] =	ssyncset.done @!p0 $0x0  }
0xf3: {  	[sflag:s0] =	ssyncadd.s32 @!p0 s1  }
0xf4: {  	[bflag:$0x3] =	sbarrier.arrive $0xFFFF  }
0xf5: {  	_ =	shalt  }

// kernel: kernel.7.cloned.1.call-start
scs
__scs_entry_jumppad:
0x0: {  	(pc) =	sbr.rel $0x88, $3  }
0x1: {  	(tag) =	ssettag $0x0;
	lr =	simm.s32 $0x1  }
0x2: {  	[smem:$0x3F98] =	sst lr;
	_ =	strace $0xD0000000  }
0x3: {  	_ = 	snop  }
0x4: {  	_ = 	snop  }
0x5: {  	_ = 	snop  }
0x6: {  	_ = 	snop  }
0x7: {  	_ = 	snop  }
__scs_overlays_trampoline_lowered:
0x8: {  	[smem:$0x3FA7] =	sst s0  }
0x9: {  	[smem:$0x3FA8] =	sst s1  }
0xa: {  	[smem:$0x3FA9] =	sst s2  }
0xb: {  	[smem:$0x3FAA] =	sst s3  }
0xc: {  	[smem:$0x3FAB] =	sst s4  }
0xd: {  	[smem:$0x3FAC] =	sst s5  }
0xe: {  	[smem:$0x3FAD] =	sst s6  }
0xf: {  	[smem:$0x3FAE] =	sst s7  }
0x10: {  	[smem:$0x3FAF] =	sst s8  }
0x11: {  	[smem:$0x3FB0] =	sst s9;
	s0 =	simm.s32 @!p0 $0x0  }
0x12: {  	s1 =	sld [smem:$0x3F96];
	s0 =	simm.s32 @p0 $0x1  }
0x13: {  	[smem:$0x3FB1] =	sst s0;
	s0 =	simm.s32 @!p1 $0x0  }
0x14: {  	s2 =	sld [smem:$0x3F95];
	s0 =	simm.s32 @p1 $0x1  }
0x15: {  	[smem:$0x3FB2] =	sst s0;
	s0 =	simm.s32 @!p2 $0x0  }
0x16: {  	s3 =	sld [smem:$0x3FDB];
	s0 =	simm.s32 @p2 $0x1  }
0x17: {  	s4 =	simm.s32 $0x1BF5;
	[smem:$0x3FB4] =	sst s0  }
0x18: {  	s0 =	sld [smem:$0x3F97];
	_ =	swait.ge [sflag:s4], $0x0  }
0x19: {  	s7 =	sld [smem:$0x3F98]  }
0x1a: {  	s8 =	sadd.s32 $0xFFFFE003, lr  }
0x1b: {  	s9 =	sadd.s32 $0xFFFFFEF7, lr;
	s5 =	simm.s32 $0xFFFFFFFF;
	p2 =	slt.u32 s8, $0xFFFFF086  }
0x1c: {  	p1 =	slt.u32 s9, $0xF7A;
	s5 =	simm.s32 @!p2 $0x0  }
0x1d: {  	s5 =	simm.s32 @p1 $0x1;
	p0 =	seq.s32 s7, s2  }
0x1e: {  	s7 =	smul.u32 @!p0 $0xF7A, s2;
	p2 =	seq.s32 @!p0 s5, $0x0  }
0x1f: {  	s9 =	smul.u32 $0xF7A, s1;
	s8 =	simm.s32 @!p0 $0x1BF5;
	p2 =	por !p2, p0  }
0x20: {  	[sflag:s8] =	ssyncset.s32 @!p0 $0xFFFFF086;
	s6 =	sadd.s32 @!p0 s3, s7;
	s7 =	simm.s32 @!p0 $0x108  }
0x21: {  	s3 =	sadd.s32 s3, s9;
	s6 =	sadd.s32 @!p0 $0x88, s6;
	s7 =	simm.s32 @p2 $0x1082  }
0x22: {  	[simem:s7], [sflag:s8] =	dma.local @!p0 [hbm:s6], $0xF7A  }
0x23: {  	s9 =	sor.u32 $0xD0000000, s2;
	s6 =	simm.s32 $0x108;
	_ =	swait.ge @!p0 [sflag:s8], $0x0  }
0x24: {  	s3 =	sadd.s32 $0x88, s3;
	s6 =	simm.s32 @!p1 $0x1082;
	[sflag:s4] =	ssyncset.s32 $0xFFFFF086  }
0x25: {  	[simem:s6], [sflag:s4] =	dma.local [hbm:s3], $0xF7A  }
0x26: {  	[smem:$0x3F98] =	sst s1;
	(tag) =	ssettag s2;
	_ =	strace s9  }
0x27: {  	s1 =	sld [smem:$0x3FA8]  }
0x28: {  	s2 =	sld [smem:$0x3FA9]  }
0x29: {  	s4 =	sld [smem:$0x3FAB]  }
0x2a: {  	p0 =	seq.s32 s5, $0x0;
	s5 =	sld [smem:$0x3FAC]  }
0x2b: {  	s6 =	sld [smem:$0x3FAD]  }
0x2c: {  	s7 =	sld [smem:$0x3FAE]  }
0x2d: {  	s3 =	simm.s32 $0x108;
	s8 =	sld [smem:$0x3FAF]  }
0x2e: {  	s3 =	simm.s32 @!p0 $0x1082;
	s9 =	sld [smem:$0x3FB0]  }
0x2f: {  	lr =	sadd.s32 s0, s3;
	s0 =	sld [smem:$0x3FA7]  }
0x30: {  	s3 =	sld [smem:$0x3FAA]  }
0x31: {  	[smem:$0x3FB3] =	sst s10  }
0x32: {  	s10 =	sld [smem:$0x3FB1];
	_ =	sdelay $0x3  }
0x33: {  	p0 =	seq.s32 s10, $0x1;
	s10 =	sld [smem:$0x3FB3];
	_ =	sdelay $0x3  }
0x34: {  	[smem:$0x3FB3] =	sst s10  }
0x35: {  	s10 =	sld [smem:$0x3FB2];
	_ =	sdelay $0x3  }
0x36: {  	p1 =	seq.s32 s10, $0x1;
	s10 =	sld [smem:$0x3FB3];
	_ =	sdelay $0x3  }
0x37: {  	[smem:$0x3FB3] =	sst s10  }
0x38: {  	s10 =	sld [smem:$0x3FB4]  }
0x39: {  	_ = 	snop;
	(pc) =	sbr.ind lr, $3  }
0x3a: {  	_ = 	snop  }
0x3b: {  	_ = 	snop  }
0x3c: {  	p2 =	seq.s32 s10, $0x1;
	s10 =	sld [smem:$0x3FB3]  }
0x3d: {  	_ =	shalt  }
0x3e: {  	_ =	shalt  }
0x3f: {  	_ =	shalt  }
0x40: {  	_ =	shalt  }
0x41: {  	_ =	shalt  }
0x42: {  	_ =	shalt  }
0x43: {  	_ =	shalt  }
0x44: {  	_ =	shalt  }
0x45: {  	_ =	shalt  }
0x46: {  	_ =	shalt  }
0x47: {  	_ =	shalt  }
0x48: {  	_ =	shalt  }
0x49: {  	_ =	shalt  }
0x4a: {  	_ =	shalt  }
0x4b: {  	_ =	shalt  }
0x4c: {  	_ =	shalt  }
0x4d: {  	_ =	shalt  }
0x4e: {  	_ =	shalt  }
0x4f: {  	_ =	shalt  }
0x50: {  	_ =	shalt  }
0x51: {  	_ =	shalt  }
0x52: {  	_ =	shalt  }
0x53: {  	_ =	shalt  }
0x54: {  	_ =	shalt  }
0x55: {  	_ =	shalt  }
0x56: {  	_ =	shalt  }
0x57: {  	_ =	shalt  }
0x58: {  	_ =	shalt  }
0x59: {  	_ =	shalt  }
0x5a: {  	_ =	shalt  }
0x5b: {  	_ =	shalt  }
0x5c: {  	_ =	shalt  }
0x5d: {  	_ =	shalt  }
0x5e: {  	_ =	shalt  }
0x5f: {  	_ =	shalt  }
0x60: {  	_ =	shalt  }
0x61: {  	_ =	shalt  }
0x62: {  	_ =	shalt  }
0x63: {  	_ =	shalt  }
0x64: {  	_ =	shalt  }
0x65: {  	_ =	shalt  }
0x66: {  	_ =	shalt  }
0x67: {  	_ =	shalt  }
0x68: {  	_ =	shalt  }
0x69: {  	_ =	shalt  }
0x6a: {  	_ =	shalt  }
0x6b: {  	_ =	shalt  }
0x6c: {  	_ =	shalt  }
0x6d: {  	_ =	shalt  }
0x6e: {  	_ =	shalt  }
0x6f: {  	_ =	shalt  }
0x70: {  	_ =	shalt  }
0x71: {  	_ =	shalt  }
0x72: {  	_ =	shalt  }
0x73: {  	_ =	shalt  }
0x74: {  	_ =	shalt  }
0x75: {  	_ =	shalt  }
0x76: {  	_ =	shalt  }
0x77: {  	_ =	shalt  }
0x78: {  	_ =	shalt  }
0x79: {  	_ =	shalt  }
0x7a: {  	_ =	shalt  }
0x7b: {  	_ =	shalt  }
0x7c: {  	_ =	shalt  }
0x7d: {  	_ =	shalt  }
0x7e: {  	_ =	shalt  }
0x7f: {  	_ =	shalt  }
0x80: {  	_ =	shalt  }
0x81: {  	_ =	shalt  }
0x82: {  	_ =	shalt  }
0x83: {  	_ =	shalt  }
0x84: {  	_ =	shalt  }
0x85: {  	_ =	shalt  }
0x86: {  	_ =	shalt  }
0x87: {  	_ =	shalt  }
.Lfunc_end0:
.L_simem_size_0:
called_computation_lowered:
.L_overlay_start_0:
0x88: {  	s2 =	sld [smem:$0x3FD9]  }
0x89: {  	s3 =	sld [smem:$0x3FFE];
	_ =	sdelay $0x1  }
0x8a: {  	s1 =	srdreg.scid  }
0x8b: {  	s0 =	sand.u32 $0x1, s1  }
0x8c: {  	s16 =	sshll.u32 s0, $0xA;
	s2 =	sadd.s32 s3, s2  }
0x8d: {  	s2 =	sadd.s32 s2, s16  }
0x8e: {  	[smem:$0x3FBF] =	sst s2  }
0x8f: {  	_ = 	snop  }
0x90: {  	(tm) =	ssettm $0x1  }
0x91: {  	s17 =	sld [smem:$0x3FFB];
	_ =	sdelay $0x3  }
0x92: {  	_ =	strace s17  }
0x93: {  	s2 =	sld [smem:$0x3FFC];
	_ =	sdelay $0x3  }
0x94: {  	_ =	strace s2  }
0x95: {  	s2 =	sld [smem:$0x3FFD];
	_ =	sdelay $0x3  }
0x96: {  	_ =	strace s2  }
0x97: {  	_ =	strace $0x8FFFFFFF  }
0x98: {  	s18 =	sld [smem:$0x3FDB];
	_ =	sdelay $0x1  }
0x99: {  	s19 =	simm.s32 $_scs_section_size  }
0x9a: {  	s4 =	simm.s32 $_size__tile_overlayer_lowered;
	s5 =	simm.s32 $_tile_overlayer_lowered  }
0x9b: {  	s22 =	simm.s32 $0x1BFF;
	s21 =	sshll.u32 s5, $0x1;
	s2 =	sadd.s32 s19, s18  }
0x9c: {  	s6 =	simm.s32 $0x0;
	s20 =	sshll.u32 s4, $0x1;
	s4 =	sadd.s32 s21, s2  }
0x9d: {  	[timem:s6], [sflag:s22] =	dma.local [hbm:s4], s20  }
0x9e: {  	_ =	swait.ge [sflag:s22], s20  }
0x9f: {  	s3 =	ssub.s32 $0x0, s20;
	[sflag:s22] =	ssyncset.done $0x0  }
0xa0: {  	[sflag:s22] =	ssyncadd.s32 s3;
	_ =	sdelay $0x1  }
0xa1: {  	s23 =	simm.s32 $0x1B8B  }
0xa2: {  	_ =	swait.ge [sflag:s23], $0x1  }
0xa3: {  	[sflag:s23] =	ssyncset.done $0x0  }
0xa4: {  	s25 =	simm.s32 $0x1B8E;
	s24 =	sld [smem:$0x3FFE];
	[sflag:s23] =	ssyncadd.s32 $0xFFFFFFFF  }
0xa5: {  	s26 =	simm.s32 $execute0_lowered;
	[smem:$0x3FD2] =	sst s25  }
0xa6: {  	s4 =	sshll.u32 s26, $0x1;
	_ =	strace $0x80000046;
	[dreg:$0x1] =	wrdreg $0xFFFFFFFF  }
0xa7: {  	s28 =	simm.s32 $_size_execute0_lowered;
	s2 =	sadd.s32 s2, s4;
	[dreg:$0x0] =	wrdreg $0x0  }
0xa8: {  	s4 =	sshll.u32 s28, $0x1;
	[dreg:$0x2] =	wrdreg s2  }
0xa9: {  	[dreg:$0x3] =	wrdreg s4  }
0xaa: {  	[dreg:$0x4] =	wrdreg $0xC0  }
0xab: {  	_ =	task [dreg:s6], $0x5FFFF  }
0xac: {  	[dreg:$0x1] =	wrdreg $0xFFFFFFFF  }
0xad: {  	[dreg:$0x0] =	wrdreg $0x60  }
0xae: {  	[dreg:$0x2] =	wrdreg s24  }
0xaf: {  	[dreg:$0x3] =	wrdreg $0xB3000  }
0xb0: {  	[dreg:$0x4] =	wrdreg $0x9  }
0xb1: {  	_ =	task.clear_ibuf [dreg:s6], $0x5FFFF;
	_ =	strace $0x90000046  }
0xb2: {  	s29 =	simm.s32 $0x9;
	_ =	strace $0x80000048  }
0xb3: {  	_ =	swait.ge [sflag:s29], $0x1  }
0xb4: {  	[sflag:s29] =	ssyncadd.s32 $0xFFFFFFFF  }
0xb5: {  	_ =	strace $0x90000048  }
0xb6: {  	_ =	sfence  }
0xb7: {  	s30 =	sld [smem:$0x0];
	_ =	sdelay $0x2  }
0xb8: {  	s31 =	sshll.u32 s1, $0xD;
	s1 =	sshrl.u32 s1, $0x2  }
0xb9: {  	s3 =	sand.u32 $0x4000, s31;
	s1 =	sadd.s32 s1, s30  }
0xba: {  	s0 =	sor.u32 s3, s0;
	s1 =	sshll.u32 s1, $0x11  }
0xbb: {  	s0 =	sor.u32 s1, s0  }
0xbc: {  	s0 =	sadd.s32 $0x8F2B, s0  }
0xbd: {  	[sflag:s0] =	ssyncadd.remote.s32 $0x1  }
0xbe: {  	_ =	sfence.sel $0xFFFF  }
0xbf: {  	[dreg:$0x0] =	wrdreg $0xFFFFFFFF;
	(pc) =	sbr.abs _section_cstart, $3  }
0xc0: {  	[dreg:$0x1] =	wrdreg $0xFFFFFFFF  }
0xc1: {  	_ =	task.clear_ibuf [dreg:s6], $0x2FFFF;
	_ =	strace $0x9FFFFFFF  }
0xc2: {  	(tm) =	ssettm $0x7FFFFFFF  }
0xc3: {  	_ =	shalt  }
tec
execute0_lowered:
.L_overlay_start_1:
0x0: {  	(tag) =	ssettag $0x1  }
0x1: {  	s0 =	srdreg.scid  }
0x2: {  	s1 =	rddreg [dreg:$0x0];
	s10 =	stileid.u32  }
0x3: {  	s2 =	rddreg [dreg:$0x1];
	s13 =	simm.s32 $0x3;
	s14 =	simm.s32 $0x2780  }
0x4: {  	s15 =	simm.s32 $0x4F00;
	s16 =	simm.s32 $0x28;
	s17 =	simm.s32 $0x6300  }
0x5: {  	s19 =	simm.s32 $0x7700;
	s21 =	simm.s32 $0x8B00;
	s22 =	simm.s32 $0x1  }
0x6: {  	s24 =	simm.s32 $0x9F00;
	s26 =	simm.s32 $0x2;
	s30 =	simm.s32 $0xF0  }
0x7: {  	s31 =	simm.s32 $0x27F8;
	s18 =	simm.s32 $0x2820;
	s20 =	simm.s32 $0x26E8  }
0x8: {  	s23 =	simm.s32 $0x0;
	s0 =	sand.u32 $0x1, s0;
	s7 =	smul.u32 $0x50000, s10  }
0x9: {  	s12 =	smul.u32 $0x2800, s10;
	s3 =	sshll.u32 s0, $0x4;
	s6 =	ssub.s32 $0x2, s0  }
0xa: {  	p0 =	seq.s32 s0, $0x1;
	s0 =	simm.s32 $0x65200;
	s4 =	sor.u32 s10, s3  }
0xb: {  	s3 =	simm.s32 $0x0;
	s8 =	sshrl.u32 s6, $0x1;
	s7 =	sshrl.u32 s7, $0x2  }
0xc: {  	s0 =	simm.s32 @!p0 $0x3D200;
	s5 =	smul.u32 $0x4E2, s4;
	[smem:$0x7FF] =	sst s3  }
0xd: {  	s4 =	sadd.s32 $0x16000, s1;
	s11 =	ssub.s32 s6, s8;
	s7 =	sadd.s32 s7, s2  }
0xe: {  	s0 =	sadd.s32 s0, s1;
	_ =	strace $0x80000047;
	s8 =	sadd.s32 $0x5000, s7  }
0xf: {  	s10 =	sadd.s32 $0xF000, s7;
	s11 =	smax.u32 s11, $0x1;
	s12 =	sadd.s32 s0, s12  }
0x10: {  	s0 =	simm.s32 $0x4E68;
	s9 =	sadd.s32 s5, s1;
	s1 =	simm.s32 $0x118  }
0x11: {  	v0 =	vimm.f32 $0.0e+00;
	s5 =	sadd.s32 $0xC200, s9;
	s6 =	sadd.s32 $0x2400, s9;
	s9 =	sadd.s32 $0xA000, s7  }
.LBB2_1:
0x12: {  	[tilespmem:s3], [sflag:$0x3] =	stream.linear.gather [hbm4b:s5+s3], $0x2710, $0x38;
	[tilespmem:$0x1F300] =	vst v63  }
0x13: {  	_ =	swait.ge [sflag:s13], $0x2710  }
0x14: {  	[sflag:s13] =	ssyncset.done $0x0  }
0x15: {  	[sflag:s13] =	ssyncadd.s32 $0xFFFFD8F0  }
0x16: {  	[tilespmem:s14], [sflag:$0x3] =	stream.linear.gather [hbm4b:s6+s3], $0x2710, $0x38;
	[tilespmem:$0x1F300] =	vst v63  }
0x17: {  	_ =	swait.ge [sflag:s13], $0x2710  }
0x18: {  	[sflag:s13] =	ssyncset.done $0x0  }
0x19: {  	s25 =	simm.s32 $0x0;
	s28 =	simm.s32 $0x200;
	[sflag:s13] =	ssyncadd.s32 $0xFFFFD8F0  }
.LBB2_2:
0x1a: {  	p0 =	sne.s32 s28, $0x13E00;
	[tilespmem:s25+$0x4F70] =	vst v0  }
0x1b: {  	[tilespmem:s25+$0x4F00] =	vst v0  }
0x1c: {  	[tilespmem:s25+$0x4F10] =	vst v0  }
.Ltmp0:
0x1d: {  	[tilespmem:s25+$0x4F20] =	vst v0;
	(pc) =	sbr.rel @p0 .LBB2_2-.Ltmp0, $4  }
0x1e: {  	[tilespmem:s25+$0x4F30] =	vst v0  }
0x1f: {  	[tilespmem:s25+$0x4F40] =	vst v0  }
0x20: {  	[tilespmem:s25+$0x4F50] =	vst v0  }
0x21: {  	[tilespmem:s25+$0x4F60] =	vst v0;
	s25 =	sshra.s32 s28, $0x2;
	s28 =	sadd.s32 $0x200, s28  }
0x22: {  	[tilespmem:s25+$0x4F70] =	vst v0  }
0x23: {  	[tilespmem:s25+$0x4F00] =	vst v0  }
0x24: {  	[tilespmem:s25+$0x4F10] =	vst v0  }
0x25: {  	[tilespmem:s25+$0x4F20] =	vst v0  }
0x26: {  	[tilespmem:s25+$0x4F30] =	vst v0  }
0x27: {  	[tilespmem:s25+$0x4F40] =	vst v0  }
0x28: {  	[tilespmem:s25+$0x4F50] =	vst v0  }
0x29: {  	[tilespmem:s25+$0x4F60] =	vst v0  }
0x2a: {  	[spmem:s7] =	stream.linear.scatter [tilespmem:s15], [sflag:$0x3], $0x5000, $0x38;
	[tilespmem:$0x1F300] =	vst v63  }
0x2b: {  	_ =	swait.ge [sflag:s13], $0x5000  }
0x2c: {  	[sflag:s13] =	ssyncset.done $0x0  }
0x2d: {  	[sflag:s13] =	ssyncadd.s32 $0xFFFFB000  }
0x2e: {  	[spmem:s8] =	stream.linear.scatter [tilespmem:s15], [sflag:$0x3], $0x5000, $0x38;
	[tilespmem:$0x1F300] =	vst v63  }
0x2f: {  	_ =	swait.ge [sflag:s13], $0x5000  }
0x30: {  	[sflag:s13] =	ssyncset.done $0x0  }
0x31: {  	[sflag:s13] =	ssyncadd.s32 $0xFFFFB000  }
0x32: {  	[spmem:s9] =	stream.linear.scatter [tilespmem:s15], [sflag:$0x3], $0x5000, $0x38;
	[tilespmem:$0x1F300] =	vst v63  }
0x33: {  	_ =	swait.ge [sflag:s13], $0x5000  }
0x34: {  	[sflag:s13] =	ssyncset.done $0x0  }
0x35: {  	[sflag:s13] =	ssyncadd.s32 $0xFFFFB000  }
0x36: {  	[spmem:s10] =	stream.linear.scatter [tilespmem:s15], [sflag:$0x3], $0x5000, $0x38;
	[tilespmem:$0x1F300] =	vst v63  }
0x37: {  	_ =	swait.ge [sflag:s13], $0x5000  }
0x38: {  	[sflag:s13] =	ssyncset.done $0x0  }
0x39: {  	[sflag:s13] =	ssyncadd.s32 $0xFFFFB000  }
0x3a: {  	s29 =	simm.s32 $0x0;
	[bflag:$0x0] =	sbarrier.arrive $0xFFFF  }
0x3b: {  	[tilespmem:s15], [sflag:$0x1] =	stream.indirect.gather [hbm4b:s4+s16], $0x80, s29, s16, $0xb8;
	[tilespmem:$0x1F300] =	vst v63  }
0x3c: {  	_ = 	snop  }
0x3d: {  	[tilespmem:s17], [sflag:$0x1] =	stream.indirect.gather [hbm4b:s4+s16], $0x80, s16, s16, $0xb8;
	[tilespmem:$0x1F300] =	vst v63  }
0x3e: {  	s29 =	simm.s32 $0x50  }
0x3f: {  	[tilespmem:s19], [sflag:$0x1] =	stream.indirect.gather [hbm4b:s4+s16], $0x80, s29, s16, $0xb8;
	[tilespmem:$0x1F300] =	vst v63  }
0x40: {  	s29 =	simm.s32 $0x78  }
0x41: {  	[tilespmem:s21], [sflag:$0x1] =	stream.indirect.gather [hbm4b:s4+s16], $0x80, s29, s16, $0xb8;
	[tilespmem:$0x1F300] =	vst v63  }
0x42: {  	_ =	swait.ge [sflag:s22], $0x1400  }
0x43: {  	[sflag:s22] =	ssyncset.done $0x0  }
0x44: {  	[sflag:s22] =	ssyncadd.s32 $0xFFFFEC00  }
0x45: {  	[spmem:s2] =	stream.indirect.scatter.add.f32 [tilespmem:s15], [sflag:$0x2], $0x80, s14, s16, $0xb8;
	[tilespmem:$0x1F300] =	vst v63  }
0x46: {  	s29 =	simm.s32 $0xA0  }
0x47: {  	[tilespmem:s24], [sflag:$0x1] =	stream.indirect.gather [hbm4b:s4+s16], $0x80, s29, s16, $0xb8;
	[tilespmem:$0x1F300] =	vst v63  }
0x48: {  	_ =	swait.ge [sflag:s22], $0x1400  }
0x49: {  	[sflag:s22] =	ssyncset.done $0x0  }
0x4a: {  	s29 =	simm.s32 $0x27A8;
	[sflag:s22] =	ssyncadd.s32 $0xFFFFEC00  }
0x4b: {  	[spmem:s2] =	stream.indirect.scatter.add.f32 [tilespmem:s17], [sflag:$0x2], $0x80, s29, s16, $0xb8;
	[tilespmem:$0x1F300] =	vst v63  }
0x4c: {  	_ =	swait.ge [sflag:s26], $0x1400  }
0x4d: {  	[sflag:s26] =	ssyncset.done $0x0  }
0x4e: {  	s29 =	simm.s32 $0xC8;
	[sflag:s26] =	ssyncadd.s32 $0xFFFFEC00  }
0x4f: {  	[tilespmem:s15], [sflag:$0x1] =	stream.indirect.gather [hbm4b:s4+s16], $0x80, s29, s16, $0xb8;
	[tilespmem:$0x1F300] =	vst v63  }
0x50: {  	_ =	swait.ge [sflag:s22], $0x1400  }
0x51: {  	[sflag:s22] =	ssyncset.done $0x0  }
0x52: {  	s29 =	simm.s32 $0x27D0;
	[sflag:s22] =	ssyncadd.s32 $0xFFFFEC00  }
0x53: {  	[spmem:s2] =	stream.indirect.scatter.add.f32 [tilespmem:s19], [sflag:$0x2], $0x80, s29, s16, $0xb8;
	[tilespmem:$0x1F300] =	vst v63  }
0x54: {  	_ =	swait.ge [sflag:s26], $0x1400  }
0x55: {  	[sflag:s26] =	ssyncset.done $0x0  }
0x56: {  	[sflag:s26] =	ssyncadd.s32 $0xFFFFEC00  }
0x57: {  	[tilespmem:s17], [sflag:$0x1] =	stream.indirect.gather [hbm4b:s4+s16], $0x80, s30, s16, $0xb8;
	[tilespmem:$0x1F300] =	vst v63  }
0x58: {  	_ =	swait.ge [sflag:s22], $0x1400  }
0x59: {  	[sflag:s22] =	ssyncset.done $0x0  }
0x5a: {  	[sflag:s22] =	ssyncadd.s32 $0xFFFFEC00  }
0x5b: {  	[spmem:s2] =	stream.indirect.scatter.add.f32 [tilespmem:s21], [sflag:$0x2], $0x80, s31, s16, $0xb8;
	[tilespmem:$0x1F300] =	vst v63  }
0x5c: {  	_ =	swait.ge [sflag:s26], $0x1400  }
0x5d: {  	[sflag:s26] =	ssyncset.done $0x0  }
0x5e: {  	[sflag:s26] =	ssyncadd.s32 $0xFFFFEC00  }
0x5f: {  	[tilespmem:s19], [sflag:$0x1] =	stream.indirect.gather [hbm4b:s4+s16], $0x80, s1, s16, $0xb8;
	[tilespmem:$0x1F300] =	vst v63  }
0x60: {  	_ =	swait.ge [sflag:s22], $0x1400  }
0x61: {  	[sflag:s22] =	ssyncset.done $0x0  }
0x62: {  	[sflag:s22] =	ssyncadd.s32 $0xFFFFEC00  }
0x63: {  	[spmem:s2] =	stream.indirect.scatter.add.f32 [tilespmem:s24], [sflag:$0x2], $0x80, s18, s16, $0xb8;
	[tilespmem:$0x1F300] =	vst v63  }
0x64: {  	_ =	swait.ge [sflag:s26], $0x1400  }
0x65: {  	[sflag:s26] =	ssyncset.done $0x0  }
0x66: {  	s29 =	simm.s32 $0x140;
	[sflag:s26] =	ssyncadd.s32 $0xFFFFEC00  }
0x67: {  	[tilespmem:s21], [sflag:$0x1] =	stream.indirect.gather [hbm4b:s4+s16], $0x80, s29, s16, $0xb8;
	[tilespmem:$0x1F300] =	vst v63  }
0x68: {  	_ =	swait.ge [sflag:s22], $0x1400  }
0x69: {  	[sflag:s22] =	ssyncset.done $0x0  }
0x6a: {  	s29 =	simm.s32 $0x2848;
	[sflag:s22] =	ssyncadd.s32 $0xFFFFEC00  }
0x6b: {  	[spmem:s2] =	stream.indirect.scatter.add.f32 [tilespmem:s15], [sflag:$0x2], $0x80, s29, s16, $0xb8;
	[tilespmem:$0x1F300] =	vst v63  }
0x6c: {  	_ =	swait.ge [sflag:s26], $0x1400  }
0x6d: {  	[sflag:s26] =	ssyncset.done $0x0  }
0x6e: {  	s29 =	simm.s32 $0x168;
	[sflag:s26] =	ssyncadd.s32 $0xFFFFEC00  }
0x6f: {  	[tilespmem:s24], [sflag:$0x1] =	stream.indirect.gather [hbm4b:s4+s16], $0x80, s29, s16, $0xb8;
	[tilespmem:$0x1F300] =	vst v63  }
0x70: {  	_ =	swait.ge [sflag:s22], $0x1400  }
0x71: {  	[sflag:s22] =	ssyncset.done $0x0  }
0x72: {  	s29 =	simm.s32 $0x2870;
	[sflag:s22] =	ssyncadd.s32 $0xFFFFEC00  }
0x73: {  	[spmem:s2] =	stream.indirect.scatter.add.f32 [tilespmem:s17], [sflag:$0x2], $0x80, s29, s16, $0xb8;
	[tilespmem:$0x1F300] =	vst v63  }
0x74: {  	_ =	swait.ge [sflag:s26], $0x1400  }
0x75: {  	[sflag:s26] =	ssyncset.done $0x0  }
0x76: {  	s29 =	simm.s32 $0x190;
	[sflag:s26] =	ssyncadd.s32 $0xFFFFEC00  }
0x77: {  	[tilespmem:s15], [sflag:$0x1] =	stream.indirect.gather [hbm4b:s4+s16], $0x80, s29, s16, $0xb8;
	[tilespmem:$0x1F300] =	vst v63  }
0x78: {  	_ =	swait.ge [sflag:s22], $0x1400  }
0x79: {  	[sflag:s22] =	ssyncset.done $0x0  }
0x7a: {  	s29 =	simm.s32 $0x2898;
	[sflag:s22] =	ssyncadd.s32 $0xFFFFEC00  }
0x7b: {  	[spmem:s2] =	stream.indirect.scatter.add.f32 [tilespmem:s19], [sflag:$0x2], $0x80, s29, s16, $0xb8;
	[tilespmem:$0x1F300] =	vst v63  }
0x7c: {  	_ =	swait.ge [sflag:s26], $0x1400  }
0x7d: {  	[sflag:s26] =	ssyncset.done $0x0  }
0x7e: {  	s29 =	simm.s32 $0x1B8;
	[sflag:s26] =	ssyncadd.s32 $0xFFFFEC00  }
0x7f: {  	[tilespmem:s17], [sflag:$0x1] =	stream.indirect.gather [hbm4b:s4+s16], $0x80, s29, s16, $0xb8;
	[tilespmem:$0x1F300] =	vst v63  }
0x80: {  	_ =	swait.ge [sflag:s22], $0x1400  }
0x81: {  	[sflag:s22] =	ssyncset.done $0x0  }
0x82: {  	s29 =	simm.s32 $0x28C0;
	[sflag:s22] =	ssyncadd.s32 $0xFFFFEC00  }
0x83: {  	[spmem:s2] =	stream.indirect.scatter.add.f32 [tilespmem:s21], [sflag:$0x2], $0x80, s29, s16, $0xb8;
	[tilespmem:$0x1F300] =	vst v63  }
0x84: {  	_ =	swait.ge [sflag:s26], $0x1400  }
0x85: {  	[sflag:s26] =	ssyncset.done $0x0  }
0x86: {  	s29 =	simm.s32 $0x1E0;
	[sflag:s26] =	ssyncadd.s32 $0xFFFFEC00  }
0x87: {  	[tilespmem:s19], [sflag:$0x1] =	stream.indirect.gather [hbm4b:s4+s16], $0x80, s29, s16, $0xb8;
	[tilespmem:$0x1F300] =	vst v63  }
0x88: {  	_ =	swait.ge [sflag:s22], $0x1400  }
0x89: {  	[sflag:s22] =	ssyncset.done $0x0  }
0x8a: {  	s25 =	simm.s32 $0x320;
	s28 =	simm.s32 $0x28E8;
	[sflag:s22] =	ssyncadd.s32 $0xFFFFEC00  }
.LBB2_4:
0x8b: {  	[spmem:s2] =	stream.indirect.scatter.add.f32 [tilespmem:s24], [sflag:$0x2], $0x80, s28, s16, $0xb8;
	[tilespmem:$0x1F300] =	vst v63  }
0x8c: {  	s28 =	smov.u32 s25;
	s25 =	sadd.s32 $0x320, s25;
	_ =	swait.ge [sflag:s26], $0x1400  }
0x8d: {  	s28 =	sshra.s32 s28, $0x2;
	p0 =	sne.s32 s25, $0x9600;
	[sflag:s26] =	ssyncset.done $0x0  }
0x8e: {  	s29 =	sadd.s32 $0x140, s28;
	[sflag:s26] =	ssyncadd.s32 $0xFFFFEC00  }
0x8f: {  	[tilespmem:s21], [sflag:$0x1] =	stream.indirect.gather [hbm4b:s4+s16], $0x80, s29, s16, $0xb8;
	[tilespmem:$0x1F300] =	vst v63  }
0x90: {  	_ =	swait.ge [sflag:s22], $0x1400  }
0x91: {  	[sflag:s22] =	ssyncset.done $0x0  }
0x92: {  	s29 =	sadd.s32 $0x2848, s28;
	[sflag:s22] =	ssyncadd.s32 $0xFFFFEC00  }
0x93: {  	[spmem:s2] =	stream.indirect.scatter.add.f32 [tilespmem:s15], [sflag:$0x2], $0x80, s29, s16, $0xb8;
	[tilespmem:$0x1F300] =	vst v63  }
0x94: {  	_ =	swait.ge [sflag:s26], $0x1400  }
0x95: {  	[sflag:s26] =	ssyncset.done $0x0  }
0x96: {  	s29 =	sadd.s32 $0x168, s28;
	[sflag:s26] =	ssyncadd.s32 $0xFFFFEC00  }
0x97: {  	[tilespmem:s24], [sflag:$0x1] =	stream.indirect.gather [hbm4b:s4+s16], $0x80, s29, s16, $0xb8;
	[tilespmem:$0x1F300] =	vst v63  }
0x98: {  	_ =	swait.ge [sflag:s22], $0x1400  }
0x99: {  	[sflag:s22] =	ssyncset.done $0x0  }
0x9a: {  	s29 =	sadd.s32 $0x2870, s28;
	[sflag:s22] =	ssyncadd.s32 $0xFFFFEC00  }
0x9b: {  	[spmem:s2] =	stream.indirect.scatter.add.f32 [tilespmem:s17], [sflag:$0x2], $0x80, s29, s16, $0xb8;
	[tilespmem:$0x1F300] =	vst v63  }
0x9c: {  	_ =	swait.ge [sflag:s26], $0x1400  }
0x9d: {  	[sflag:s26] =	ssyncset.done $0x0  }
0x9e: {  	s29 =	sadd.s32 $0x190, s28;
	[sflag:s26] =	ssyncadd.s32 $0xFFFFEC00  }
0x9f: {  	[tilespmem:s15], [sflag:$0x1] =	stream.indirect.gather [hbm4b:s4+s16], $0x80, s29, s16, $0xb8;
	[tilespmem:$0x1F300] =	vst v63  }
0xa0: {  	_ =	swait.ge [sflag:s22], $0x1400  }
0xa1: {  	[sflag:s22] =	ssyncset.done $0x0  }
0xa2: {  	s29 =	sadd.s32 $0x2898, s28;
	[sflag:s22] =	ssyncadd.s32 $0xFFFFEC00  }
0xa3: {  	[spmem:s2] =	stream.indirect.scatter.add.f32 [tilespmem:s19], [sflag:$0x2], $0x80, s29, s16, $0xb8;
	[tilespmem:$0x1F300] =	vst v63  }
0xa4: {  	_ =	swait.ge [sflag:s26], $0x1400  }
0xa5: {  	[sflag:s26] =	ssyncset.done $0x0  }
0xa6: {  	s29 =	sadd.s32 $0x1B8, s28;
	[sflag:s26] =	ssyncadd.s32 $0xFFFFEC00  }
0xa7: {  	[tilespmem:s17], [sflag:$0x1] =	stream.indirect.gather [hbm4b:s4+s16], $0x80, s29, s16, $0xb8;
	[tilespmem:$0x1F300] =	vst v63  }
0xa8: {  	_ =	swait.ge [sflag:s22], $0x1400  }
0xa9: {  	[sflag:s22] =	ssyncset.done $0x0  }
0xaa: {  	s29 =	sadd.s32 $0x28C0, s28;
	[sflag:s22] =	ssyncadd.s32 $0xFFFFEC00  }
0xab: {  	[spmem:s2] =	stream.indirect.scatter.add.f32 [tilespmem:s21], [sflag:$0x2], $0x80, s29, s16, $0xb8;
	[tilespmem:$0x1F300] =	vst v63  }
0xac: {  	_ =	swait.ge [sflag:s26], $0x1400  }
0xad: {  	[sflag:s26] =	ssyncset.done $0x0  }
.Ltmp1:
0xae: {  	s29 =	sadd.s32 $0x1E0, s28;
	[sflag:s26] =	ssyncadd.s32 $0xFFFFEC00;
	(pc) =	sbr.rel @p0 .LBB2_4-.Ltmp1, $4  }
0xaf: {  	[tilespmem:s19], [sflag:$0x1] =	stream.indirect.gather [hbm4b:s4+s16], $0x80, s29, s16, $0xb8;
	[tilespmem:$0x1F300] =	vst v63  }
0xb0: {  	_ =	swait.ge [sflag:s22], $0x1400  }
0xb1: {  	[sflag:s22] =	ssyncset.done $0x0  }
0xb2: {  	s28 =	sadd.s32 $0x28E8, s28;
	[sflag:s22] =	ssyncadd.s32 $0xFFFFEC00  }
0xb3: {  	[spmem:s2] =	stream.indirect.scatter.add.f32 [tilespmem:s24], [sflag:$0x2], $0x80, s28, s16, $0xb8;
	[tilespmem:$0x1F300] =	vst v63  }
0xb4: {  	_ =	swait.ge [sflag:s26], $0x1400  }
0xb5: {  	s25 =	sshra.s32 s25, $0x2;
	[sflag:s26] =	ssyncset.done $0x0  }
0xb6: {  	s29 =	sadd.s32 $0x140, s25;
	[sflag:s26] =	ssyncadd.s32 $0xFFFFEC00  }
0xb7: {  	[tilespmem:s21], [sflag:$0x1] =	stream.indirect.gather [hbm4b:s4+s16], $0x80, s29, s16, $0xb8;
	[tilespmem:$0x1F300] =	vst v63  }
0xb8: {  	_ =	swait.ge [sflag:s22], $0x1400  }
0xb9: {  	[sflag:s22] =	ssyncset.done $0x0  }
0xba: {  	s29 =	sadd.s32 $0x2848, s25;
	[sflag:s22] =	ssyncadd.s32 $0xFFFFEC00  }
0xbb: {  	[spmem:s2] =	stream.indirect.scatter.add.f32 [tilespmem:s15], [sflag:$0x2], $0x80, s29, s16, $0xb8;
	[tilespmem:$0x1F300] =	vst v63  }
0xbc: {  	_ =	swait.ge [sflag:s26], $0x1400  }
0xbd: {  	[sflag:s26] =	ssyncset.done $0x0  }
0xbe: {  	[sflag:s26] =	ssyncadd.s32 $0xFFFFEC00  }
0xbf: {  	[tilespmem:s24], [sflag:$0x1] =	stream.indirect.gather [hbm4b:s4+s16], $0x80, s20, s16, $0xb8;
	[tilespmem:$0x1F300] =	vst v63  }
0xc0: {  	_ =	swait.ge [sflag:s22], $0x1400  }
0xc1: {  	[sflag:s22] =	ssyncset.done $0x0  }
0xc2: {  	s29 =	sadd.s32 $0x2870, s25;
	[sflag:s22] =	ssyncadd.s32 $0xFFFFEC00  }
0xc3: {  	[spmem:s2] =	stream.indirect.scatter.add.f32 [tilespmem:s17], [sflag:$0x2], $0x80, s29, s16, $0xb8;
	[tilespmem:$0x1F300] =	vst v63  }
0xc4: {  	_ =	swait.ge [sflag:s26], $0x1400  }
0xc5: {  	[sflag:s26] =	ssyncset.done $0x0  }
0xc6: {  	[sflag:s26] =	ssyncadd.s32 $0xFFFFEC00  }
0xc7: {  	_ =	swait.ge [sflag:s22], $0x1400  }
0xc8: {  	[sflag:s22] =	ssyncset.done $0x0  }
0xc9: {  	s29 =	sadd.s32 $0x2898, s25;
	[sflag:s22] =	ssyncadd.s32 $0xFFFFEC00  }
0xca: {  	[spmem:s2] =	stream.indirect.scatter.add.f32 [tilespmem:s19], [sflag:$0x2], $0x80, s29, s16, $0xb8;
	[tilespmem:$0x1F300] =	vst v63  }
0xcb: {  	_ =	swait.ge [sflag:s26], $0x1400  }
0xcc: {  	[sflag:s26] =	ssyncset.done $0x0  }
0xcd: {  	[sflag:s26] =	ssyncadd.s32 $0xFFFFEC00  }
0xce: {  	_ =	swait.ge [sflag:s22], $0x1400  }
0xcf: {  	[sflag:s22] =	ssyncset.done $0x0  }
0xd0: {  	s25 =	sadd.s32 $0x28C0, s25;
	[sflag:s22] =	ssyncadd.s32 $0xFFFFEC00  }
0xd1: {  	[spmem:s2] =	stream.indirect.scatter.add.f32 [tilespmem:s21], [sflag:$0x2], $0x80, s25, s16, $0xb8;
	[tilespmem:$0x1F300] =	vst v63  }
0xd2: {  	_ =	swait.ge [sflag:s26], $0x1400  }
0xd3: {  	[sflag:s26] =	ssyncset.done $0x0  }
0xd4: {  	[sflag:s26] =	ssyncadd.s32 $0xFFFFEC00  }
0xd5: {  	_ =	swait.ge [sflag:s22], $0x1400  }
0xd6: {  	[sflag:s22] =	ssyncset.done $0x0  }
0xd7: {  	[sflag:s22] =	ssyncadd.s32 $0xFFFFEC00  }
0xd8: {  	[spmem:s2] =	stream.indirect.scatter.add.f32 [tilespmem:s24], [sflag:$0x2], $0x80, s0, s16, $0xb8;
	[tilespmem:$0x1F300] =	vst v63  }
0xd9: {  	_ =	swait.ge [sflag:s26], $0x1400  }
0xda: {  	[sflag:s26] =	ssyncset.done $0x0  }
0xdb: {  	[sflag:s26] =	ssyncadd.s32 $0xFFFFEC00  }
0xdc: {  	s23 =	sadd.s32 $0x1, s23;
	_ =	swait.ge [sflag:s26], $0x1400  }
0xdd: {  	s28 =	stileid.u32;
	p0 =	sne.s32 s23, s11;
	[sflag:s26] =	ssyncset.done $0x0  }
0xde: {  	s29 =	sshrl.u32 s7, $0x3;
	s25 =	sshll.u32 s28, $0x6;
	[sflag:s26] =	ssyncadd.s32 $0xFFFFEC00  }
.Ltmp2:
0xdf: {  	s25 =	sor.u32 $0x1C03, s25;
	[bflag:$0x0] =	sbarrier.arrive $0xFFFF;
	(pc) =	sbr.rel @p0 .LBB2_1-.Ltmp2, $4  }
0xe0: {  	[hbm:s12], [sflag:s25] =	dma.local [spmem:s29], $0x2800  }
0xe1: {  	_ =	swait.ge [sflag:s13], $0x2800  }
0xe2: {  	[sflag:s13] =	ssyncset.done $0x0  }
0xe3: {  	[sflag:s13] =	ssyncadd.s32 $0xFFFFD800  }
0xe4: {  	_ =	sfence.sel $0x180000  }
0xe5: {  	[bflag:$0x0] =	sbarrier.arrive $0xFFFF  }
0xe6: {  	_ =	strace $0x90000047  }
0xe7: {  	s0 =	stileid.u32;
	[bflag:$0x2] =	sbarrier.arrive $0xFFFF  }
0xe8: {  	p0 =	sne.s32 s0, $0x0;
	s0 =	rddreg [dreg:$0x2]  }
0xe9: {  	s0 =	sadd.s32 @!p0 $0x100000, s0  }
0xea: {  	[sflag:s0] =	ssyncadd.tile.s32 @!p0 $0x1;
	_ =	shalt  }
.Lfunc_end2:
_tile_overlayer_lowered:
.L_overlay_start_2:
0xeb: {  	(tag) =	ssettag $0x2  }
0xec: {  	s0 =	rddreg [dreg:$0x0];
	s2 =	stileid.u32  }
0xed: {  	s1 =	rddreg [dreg:$0x1];
	p0 =	sne.s32 s2, $0x0  }
0xee: {  	s3 =	rddreg [dreg:$0x2];
	[bflag:$0x3] =	sbarrier.arrive $0xFFFF;
	s2 =	simm.s32 @!p0 $0x1C03  }
0xef: {  	[timem:s3], [sflag:s2] =	dma.local @!p0 [hbm:s0], s1  }
0xf0: {  	s0 =	simm.s32 @!p0 $0x3  }
0xf1: {  	_ =	swait.ge @!p0 [sflag:s0], s1  }
0xf2: {  	s1 =	ssub.s32 @!p0 $0x0, s1;
	[sflag:s0] =	ssyncset.done @!p0 $0x0  }
0xf3: {  	[sflag:s0] =	ssyncadd.s32 @!p0 s1  }
0xf4: {  	[bflag:$0x3] =	sbarrier.arrive $0xFFFF  }
0xf5: {  	_ =	shalt  }

</sc_bundles>
